<compile_context>
chip_gen: v7x
topology: tpu7x:2x2x1
jax: 0.10.2.dev20260603
libtpu: 0.0.44.dev20260713+nightly
codegen_flags: <defaults>
</compile_context>

<pallas_src>
import functools

import jax
import jax.numpy as jnp
from jax import lax
from jax.experimental import pallas as pl
from jax.experimental.pallas import tpu as pltpu
from jax.experimental.pallas import tpu_sc as plsc

BATCH = 16384
D = 128
NUM_CORES = 2
NUM_SUBCORES = 16
NUM_WORKERS = NUM_CORES * NUM_SUBCORES
CHUNK = 128
NBUF = 4
ROWS = BATCH
CPW = ROWS // NUM_WORKERS // CHUNK
TB = 4096


def _sc_gather_body(u_tab, t_tab, d_tab, i_tab, c_tab,
                    u_idx, t_idx, d_idx, i_idx, c_idx,
                    out, idx_vs, bufs, small_tabs, isem, ssem, gsems, wsems):
  wid = lax.axis_index("s") * NUM_CORES + lax.axis_index("c")
  base = wid * (CPW * CHUNK)
  crow0 = wid * CPW

  sid = lax.axis_index("s")
  idxs = [u_idx, t_idx, d_idx, i_idx, c_idx]

  icopies = []
  for k in range(5):
    cp = pltpu.make_async_copy(idxs[k].at[pl.ds(crow0, CPW)], idx_vs[k], isem)
    cp.start()
    icopies.append(cp)

  scopies = [pltpu.make_async_copy(src, dst, ssem)
             for src, dst in zip((t_tab, d_tab, c_tab), small_tabs)]

  @pl.when(sid == 0)
  def _():
    for cp in scopies:
      cp.start()

  for cp in icopies:
    cp.wait()

  tables = [u_tab, i_tab, small_tabs[0], small_tabs[1], small_tabs[2]]
  offs = [0, 3 * ROWS, 1 * ROWS, 2 * ROWS, 4 * ROWS]
  kidx = [0, 3, 1, 2, 4]
  work = []
  for k in range(5):
    for ci in range(CPW):
      work.append((tables[k], idx_vs[kidx[k]], ci, offs[k]))
  n = len(work)
  phase2 = 2 * CPW

  def start_write(c):
    _, _, ci, off = work[c]
    w = pltpu.make_async_copy(bufs[c % NBUF],
                              out.at[pl.ds(off + base + ci * CHUNK, CHUNK)],
                              wsems.at[c % NBUF])
    w.start()
    return w

  gathers = [None] * n
  writes = [None] * n
  for c in range(n):
    if c == phase2:
      @pl.when(sid == 0)
      def _():
        for cp in scopies:
          cp.wait()
      plsc.subcore_barrier()
    tab, idxv, ci, _ = work[c]
    if c >= NBUF:
      writes[c - NBUF].wait()
    cp = pltpu.make_async_copy(tab.at[idxv.at[ci]], bufs[c % NBUF],
                               gsems.at[c % NBUF])
    cp.start()
    gathers[c] = cp
    if c >= 1:
      gathers[c - 1].wait()
      writes[c - 1] = start_write(c - 1)
  gathers[n - 1].wait()
  writes[n - 1] = start_write(n - 1)
  for c in range(max(0, n - NBUF), n):
    writes[c].wait()


def _sc_gather(u_tab, t_tab, d_tab, i_tab, c_tab,
               u_idx, t_idx, d_idx, i_idx, c_idx):
  mesh = plsc.VectorSubcoreMesh(core_axis_name="c", subcore_axis_name="s")
  out = jax.ShapeDtypeStruct((5 * ROWS, D), jnp.float32)
  kern = pl.kernel(
      _sc_gather_body,
      out_type=out,
      mesh=mesh,
      scratch_types=[
          [pltpu.VMEM((CPW, CHUNK), jnp.int32) for _ in range(5)],
          [pltpu.VMEM((CHUNK, D), jnp.float32) for _ in range(NBUF)],
          [pltpu.VMEM_SHARED((1000, D), jnp.float32) for _ in range(3)],
          pltpu.SemaphoreType.DMA,
          pltpu.SemaphoreType.DMA,
          pltpu.SemaphoreType.DMA((NBUF,)),
          pltpu.SemaphoreType.DMA((NBUF,)),
      ],
  )
  return kern(u_tab, t_tab, d_tab, i_tab, c_tab,
              u_idx, t_idx, d_idx, i_idx, c_idx)


def _tc_body(gu, gt, gd, gi, gc, wu, bu, wi, bi, o):
  xu = jnp.concatenate([gu[...], gt[...], gd[...]], axis=1)
  u = jnp.dot(xu, wu[...], preferred_element_type=jnp.float32) + bu[...]
  xi = jnp.concatenate([gi[...], gc[...]], axis=1)
  v = jnp.dot(xi, wi[...], preferred_element_type=jnp.float32) + bi[...]
  ones = jnp.ones((D, 1), jnp.float32)
  o[...] = jnp.dot(u * v, ones, preferred_element_type=jnp.float32)[:, 0]


def _tc_combine(fused, W_user, b_user, W_item, b_item):
  grid = (ROWS // TB,)
  nb = ROWS // TB

  def view(k):
    return pl.BlockSpec((TB, D), lambda i, k=k: (k * nb + i, 0))

  return pl.pallas_call(
      _tc_body,
      grid=grid,
      in_specs=[
          view(0), view(1), view(2), view(3), view(4),
          pl.BlockSpec((3 * D, D), lambda i: (0, 0)),
          pl.BlockSpec((D,), lambda i: (0,)),
          pl.BlockSpec((2 * D, D), lambda i: (0, 0)),
          pl.BlockSpec((D,), lambda i: (0,)),
      ],
      out_specs=pl.BlockSpec((TB,), lambda i: (i,)),
      out_shape=jax.ShapeDtypeStruct((ROWS,), jnp.float32),
  )(fused, fused, fused, fused, fused,
    W_user, b_user, W_item, b_item)


@jax.jit
def kernel(user_id, time, device, item_id, category,
           user_table, time_table, device_table, item_table, category_table,
           W_user, b_user, W_item, b_item):
  def r2(x):
    return x.astype(jnp.int32).reshape(BATCH // CHUNK, CHUNK)
  idx_all = [r2(user_id), r2(time), r2(device), r2(item_id), r2(category)]
  tabs = (user_table, time_table, device_table, item_table, category_table)

  fused = _sc_gather(*tabs, *idx_all)
  return _tc_combine(fused, W_user, b_user, W_item, b_item)

# --- scband reference (transcript-rebuilt; emitter-appended) ---
"""Pipeline reference for scband-two-tower-model-68676527063446 (READ-ONLY COPY).

The authoritative reference and input builder live on the scoring server;
editing this copy changes nothing except your own understanding.
"""

import jax, jax.numpy as jnp
import numpy as np

EMBED_DIM = 128
BATCH = 16384
NUM_USERS = 100000
NUM_TIMES = 1000
NUM_DEVICES = 1000
NUM_ITEMS = 100000
NUM_CATEGORIES = 1000


def setup_inputs(seed: int = 0) -> dict:
    key = jax.random.key(seed)
    ks = jax.random.split(key, 16)
    inp = {}
    inp["user_id"] = jax.random.randint(ks[0], (BATCH,), 0, NUM_USERS, dtype=jnp.int64) if jax.config.jax_enable_x64 else jax.random.randint(ks[0], (BATCH,), 0, NUM_USERS).astype(jnp.int32)
    inp["time"] = jax.random.randint(ks[1], (BATCH,), 0, NUM_TIMES).astype(jnp.int32)
    inp["device"] = jax.random.randint(ks[2], (BATCH,), 0, NUM_DEVICES).astype(jnp.int32)
    inp["item_id"] = jax.random.randint(ks[3], (BATCH,), 0, NUM_ITEMS).astype(jnp.int32)
    inp["category"] = jax.random.randint(ks[4], (BATCH,), 0, NUM_CATEGORIES).astype(jnp.int32)
    # learned parameters
    inp["user_table"] = jax.random.normal(ks[5], (NUM_USERS, EMBED_DIM), dtype=jnp.float32)
    inp["time_table"] = jax.random.normal(ks[6], (NUM_TIMES, EMBED_DIM), dtype=jnp.float32)
    inp["device_table"] = jax.random.normal(ks[7], (NUM_DEVICES, EMBED_DIM), dtype=jnp.float32)
    inp["item_table"] = jax.random.normal(ks[8], (NUM_ITEMS, EMBED_DIM), dtype=jnp.float32)
    inp["category_table"] = jax.random.normal(ks[9], (NUM_CATEGORIES, EMBED_DIM), dtype=jnp.float32)
    inp["W_user"] = jax.random.normal(ks[10], (EMBED_DIM * 3, EMBED_DIM), dtype=jnp.float32) * (1.0 / np.sqrt(EMBED_DIM * 3))
    inp["b_user"] = jnp.zeros((EMBED_DIM,), dtype=jnp.float32)
    inp["W_item"] = jax.random.normal(ks[11], (EMBED_DIM * 2, EMBED_DIM), dtype=jnp.float32) * (1.0 / np.sqrt(EMBED_DIM * 2))
    inp["b_item"] = jnp.zeros((EMBED_DIM,), dtype=jnp.float32)
    return inp


def reference(user_id, time, device, item_id, category, user_table, time_table, device_table, item_table, category_table, W_user, b_user, W_item, b_item):
    user_vec = jnp.concatenate([
        jnp.take(user_table, user_id, axis=0),
        jnp.take(time_table, time, axis=0),
        jnp.take(device_table, device, axis=0),
    ], axis=1)
    item_vec = jnp.concatenate([
        jnp.take(item_table, item_id, axis=0),
        jnp.take(category_table, category, axis=0),
    ], axis=1)
    user_vec = user_vec @ W_user + b_user
    item_vec = item_vec @ W_item + b_item
    return (user_vec * item_vec).sum(axis=1)

if __name__ == "__main__":
    import jax
    _d = setup_inputs()
    print(jax.jit(kernel)(*tuple(_d.values())))

</pallas_src>

<mosaic_0001>
#map = affine_map<(d0, d1) -> (0, 0)>
module attributes {stable_mosaic.version = 14 : i64} {
  func.func @_sc_gather_body(%arg0: i32, %arg1: i32, %arg2: memref<100000x128xf32, #tpu.memory_space<hbm>>, %arg3: memref<1000x128xf32, #tpu.memory_space<hbm>>, %arg4: memref<1000x128xf32, #tpu.memory_space<hbm>>, %arg5: memref<100000x128xf32, #tpu.memory_space<hbm>>, %arg6: memref<1000x128xf32, #tpu.memory_space<hbm>>, %arg7: memref<128x128xi32, #tpu.memory_space<hbm>>, %arg8: memref<128x128xi32, #tpu.memory_space<hbm>>, %arg9: memref<128x128xi32, #tpu.memory_space<hbm>>, %arg10: memref<128x128xi32, #tpu.memory_space<hbm>>, %arg11: memref<128x128xi32, #tpu.memory_space<hbm>>, %arg12: memref<81920x128xf32, #tpu.memory_space<hbm>>, %arg13: memref<4x128xi32, #tpu.memory_space<vmem>>, %arg14: memref<4x128xi32, #tpu.memory_space<vmem>>, %arg15: memref<4x128xi32, #tpu.memory_space<vmem>>, %arg16: memref<4x128xi32, #tpu.memory_space<vmem>>, %arg17: memref<4x128xi32, #tpu.memory_space<vmem>>, %arg18: memref<128x128xf32, #tpu.memory_space<vmem>>, %arg19: memref<128x128xf32, #tpu.memory_space<vmem>>, %arg20: memref<128x128xf32, #tpu.memory_space<vmem>>, %arg21: memref<128x128xf32, #tpu.memory_space<vmem>>, %arg22: memref<1000x128xf32, #tpu.memory_space<vmem_shared>>, %arg23: memref<1000x128xf32, #tpu.memory_space<vmem_shared>>, %arg24: memref<1000x128xf32, #tpu.memory_space<vmem_shared>>, %arg25: memref<!tpu.dma_semaphore, #tpu.memory_space<semaphore_mem>>, %arg26: memref<!tpu.dma_semaphore, #tpu.memory_space<semaphore_mem>>, %arg27: memref<4x!tpu.dma_semaphore, #tpu.memory_space<semaphore_mem>>, %arg28: memref<4x!tpu.dma_semaphore, #tpu.memory_space<semaphore_mem>>) attributes {dimension_semantics = [#tpu.dimension_semantics<core_parallel>, #tpu.dimension_semantics<subcore_parallel>], iteration_bounds = array<i64: 2, 16>, scalar_prefetch = 0 : i64, scratch_operands = 16 : i64, tpu.core_type = #tpu.core_type<sc_vector_subcore>, window_params = [{transform_indices = #map}, {transform_indices = #map}, {transform_indices = #map}, {transform_indices = #map}, {transform_indices = #map}, {transform_indices = #map}, {transform_indices = #map}, {transform_indices = #map}, {transform_indices = #map}, {transform_indices = #map}, {transform_indices = #map}]} {
    %mul3A = arith.constant 2 : i32
    %mul3A_0 = arith.muli %arg1, %mul3A : i32
    %add3A = arith.addi %mul3A_0, %arg0 : i32
    %mul3A_1 = arith.constant 512 : i32
    %mul3A_2 = arith.muli %add3A, %mul3A_1 : i32
    %mul3A_3 = arith.constant 4 : i32
    %mul3A_4 = arith.muli %add3A, %mul3A_3 : i32
    %dma_start3A = arith.constant 0 : i32
    %dma_start3A_5 = tpu.memref_slice %arg7[%mul3A_4, %dma_start3A] : memref<128x128xi32, #tpu.memory_space<hbm>> -> memref<4x128xi32, #tpu.memory_space<hbm>>
    %dma_start3A_6 = arith.constant 0 : i32
    %dma_start3A_7 = tpu.memref_slice %arg7[%mul3A_4, %dma_start3A_6] : memref<128x128xi32, #tpu.memory_space<hbm>> -> memref<4x128xi32, #tpu.memory_space<hbm>>
    tpu.enqueue_dma source(%dma_start3A_7 : memref<4x128xi32, #tpu.memory_space<hbm>>) target(%arg13 : memref<4x128xi32, #tpu.memory_space<vmem>>) target_semaphore(%arg25 : memref<!tpu.dma_semaphore, #tpu.memory_space<semaphore_mem>>)
    %dma_start3A_8 = arith.constant 0 : i32
    %dma_start3A_9 = tpu.memref_slice %arg8[%mul3A_4, %dma_start3A_8] : memref<128x128xi32, #tpu.memory_space<hbm>> -> memref<4x128xi32, #tpu.memory_space<hbm>>
    %dma_start3A_10 = arith.constant 0 : i32
    %dma_start3A_11 = tpu.memref_slice %arg8[%mul3A_4, %dma_start3A_10] : memref<128x128xi32, #tpu.memory_space<hbm>> -> memref<4x128xi32, #tpu.memory_space<hbm>>
    tpu.enqueue_dma source(%dma_start3A_11 : memref<4x128xi32, #tpu.memory_space<hbm>>) target(%arg14 : memref<4x128xi32, #tpu.memory_space<vmem>>) target_semaphore(%arg25 : memref<!tpu.dma_semaphore, #tpu.memory_space<semaphore_mem>>)
    %dma_start3A_12 = arith.constant 0 : i32
    %dma_start3A_13 = tpu.memref_slice %arg9[%mul3A_4, %dma_start3A_12] : memref<128x128xi32, #tpu.memory_space<hbm>> -> memref<4x128xi32, #tpu.memory_space<hbm>>
    %dma_start3A_14 = arith.constant 0 : i32
    %dma_start3A_15 = tpu.memref_slice %arg9[%mul3A_4, %dma_start3A_14] : memref<128x128xi32, #tpu.memory_space<hbm>> -> memref<4x128xi32, #tpu.memory_space<hbm>>
    tpu.enqueue_dma source(%dma_start3A_15 : memref<4x128xi32, #tpu.memory_space<hbm>>) target(%arg15 : memref<4x128xi32, #tpu.memory_space<vmem>>) target_semaphore(%arg25 : memref<!tpu.dma_semaphore, #tpu.memory_space<semaphore_mem>>)
    %dma_start3A_16 = arith.constant 0 : i32
    %dma_start3A_17 = tpu.memref_slice %arg10[%mul3A_4, %dma_start3A_16] : memref<128x128xi32, #tpu.memory_space<hbm>> -> memref<4x128xi32, #tpu.memory_space<hbm>>
    %dma_start3A_18 = arith.constant 0 : i32
    %dma_start3A_19 = tpu.memref_slice %arg10[%mul3A_4, %dma_start3A_18] : memref<128x128xi32, #tpu.memory_space<hbm>> -> memref<4x128xi32, #tpu.memory_space<hbm>>
    tpu.enqueue_dma source(%dma_start3A_19 : memref<4x128xi32, #tpu.memory_space<hbm>>) target(%arg16 : memref<4x128xi32, #tpu.memory_space<vmem>>) target_semaphore(%arg25 : memref<!tpu.dma_semaphore, #tpu.memory_space<semaphore_mem>>)
    %dma_start3A_20 = arith.constant 0 : i32
    %dma_start3A_21 = tpu.memref_slice %arg11[%mul3A_4, %dma_start3A_20] : memref<128x128xi32, #tpu.memory_space<hbm>> -> memref<4x128xi32, #tpu.memory_space<hbm>>
    %dma_start3A_22 = arith.constant 0 : i32
    %dma_start3A_23 = tpu.memref_slice %arg11[%mul3A_4, %dma_start3A_22] : memref<128x128xi32, #tpu.memory_space<hbm>> -> memref<4x128xi32, #tpu.memory_space<hbm>>
    tpu.enqueue_dma source(%dma_start3A_23 : memref<4x128xi32, #tpu.memory_space<hbm>>) target(%arg17 : memref<4x128xi32, #tpu.memory_space<vmem>>) target_semaphore(%arg25 : memref<!tpu.dma_semaphore, #tpu.memory_space<semaphore_mem>>)
    %eq3A = arith.constant 0 : i32
    %eq3A_24 = arith.cmpi eq, %arg1, %eq3A : i32
    %convert_element_type3A = arith.extui %eq3A_24 : i1 to i32
    %cond3A = arith.constant 0 : i32
    %cond3A_25 = arith.cmpi ne, %convert_element_type3A, %cond3A : i32
    scf.if %cond3A_25 {
      tpu.enqueue_dma source(%arg3 : memref<1000x128xf32, #tpu.memory_space<hbm>>) target(%arg22 : memref<1000x128xf32, #tpu.memory_space<vmem_shared>>) target_semaphore(%arg26 : memref<!tpu.dma_semaphore, #tpu.memory_space<semaphore_mem>>)
      tpu.enqueue_dma source(%arg4 : memref<1000x128xf32, #tpu.memory_space<hbm>>) target(%arg23 : memref<1000x128xf32, #tpu.memory_space<vmem_shared>>) target_semaphore(%arg26 : memref<!tpu.dma_semaphore, #tpu.memory_space<semaphore_mem>>)
      tpu.enqueue_dma source(%arg6 : memref<1000x128xf32, #tpu.memory_space<hbm>>) target(%arg24 : memref<1000x128xf32, #tpu.memory_space<vmem_shared>>) target_semaphore(%arg26 : memref<!tpu.dma_semaphore, #tpu.memory_space<semaphore_mem>>)
    } else {
    }
    %dma_wait3A = arith.constant 0 : i32
    %dma_wait3A_26 = tpu.memref_slice %arg7[%mul3A_4, %dma_wait3A] : memref<128x128xi32, #tpu.memory_space<hbm>> -> memref<4x128xi32, #tpu.memory_space<hbm>>
    %dma_wait3A_27 = arith.constant 0 : i32
    %dma_wait3A_28 = tpu.memref_slice %arg7[%mul3A_4, %dma_wait3A_27] : memref<128x128xi32, #tpu.memory_space<hbm>> -> memref<4x128xi32, #tpu.memory_space<hbm>>
    tpu.wait_dma2 semaphore(%arg25 : memref<!tpu.dma_semaphore, #tpu.memory_space<semaphore_mem>>) src(%dma_wait3A_28 : memref<4x128xi32, #tpu.memory_space<hbm>>) dst(%arg13 : memref<4x128xi32, #tpu.memory_space<vmem>>)
    %dma_wait3A_29 = arith.constant 0 : i32
    %dma_wait3A_30 = tpu.memref_slice %arg8[%mul3A_4, %dma_wait3A_29] : memref<128x128xi32, #tpu.memory_space<hbm>> -> memref<4x128xi32, #tpu.memory_space<hbm>>
    %dma_wait3A_31 = arith.constant 0 : i32
    %dma_wait3A_32 = tpu.memref_slice %arg8[%mul3A_4, %dma_wait3A_31] : memref<128x128xi32, #tpu.memory_space<hbm>> -> memref<4x128xi32, #tpu.memory_space<hbm>>
    tpu.wait_dma2 semaphore(%arg25 : memref<!tpu.dma_semaphore, #tpu.memory_space<semaphore_mem>>) src(%dma_wait3A_32 : memref<4x128xi32, #tpu.memory_space<hbm>>) dst(%arg14 : memref<4x128xi32, #tpu.memory_space<vmem>>)
    %dma_wait3A_33 = arith.constant 0 : i32
    %dma_wait3A_34 = tpu.memref_slice %arg9[%mul3A_4, %dma_wait3A_33] : memref<128x128xi32, #tpu.memory_space<hbm>> -> memref<4x128xi32, #tpu.memory_space<hbm>>
    %dma_wait3A_35 = arith.constant 0 : i32
    %dma_wait3A_36 = tpu.memref_slice %arg9[%mul3A_4, %dma_wait3A_35] : memref<128x128xi32, #tpu.memory_space<hbm>> -> memref<4x128xi32, #tpu.memory_space<hbm>>
    tpu.wait_dma2 semaphore(%arg25 : memref<!tpu.dma_semaphore, #tpu.memory_space<semaphore_mem>>) src(%dma_wait3A_36 : memref<4x128xi32, #tpu.memory_space<hbm>>) dst(%arg15 : memref<4x128xi32, #tpu.memory_space<vmem>>)
    %dma_wait3A_37 = arith.constant 0 : i32
    %dma_wait3A_38 = tpu.memref_slice %arg10[%mul3A_4, %dma_wait3A_37] : memref<128x128xi32, #tpu.memory_space<hbm>> -> memref<4x128xi32, #tpu.memory_space<hbm>>
    %dma_wait3A_39 = arith.constant 0 : i32
    %dma_wait3A_40 = tpu.memref_slice %arg10[%mul3A_4, %dma_wait3A_39] : memref<128x128xi32, #tpu.memory_space<hbm>> -> memref<4x128xi32, #tpu.memory_space<hbm>>
    tpu.wait_dma2 semaphore(%arg25 : memref<!tpu.dma_semaphore, #tpu.memory_space<semaphore_mem>>) src(%dma_wait3A_40 : memref<4x128xi32, #tpu.memory_space<hbm>>) dst(%arg16 : memref<4x128xi32, #tpu.memory_space<vmem>>)
    %dma_wait3A_41 = arith.constant 0 : i32
    %dma_wait3A_42 = tpu.memref_slice %arg11[%mul3A_4, %dma_wait3A_41] : memref<128x128xi32, #tpu.memory_space<hbm>> -> memref<4x128xi32, #tpu.memory_space<hbm>>
    %dma_wait3A_43 = arith.constant 0 : i32
    %dma_wait3A_44 = tpu.memref_slice %arg11[%mul3A_4, %dma_wait3A_43] : memref<128x128xi32, #tpu.memory_space<hbm>> -> memref<4x128xi32, #tpu.memory_space<hbm>>
    tpu.wait_dma2 semaphore(%arg25 : memref<!tpu.dma_semaphore, #tpu.memory_space<semaphore_mem>>) src(%dma_wait3A_44 : memref<4x128xi32, #tpu.memory_space<hbm>>) dst(%arg17 : memref<4x128xi32, #tpu.memory_space<vmem>>)
    %dma_start3A_45 = arith.constant 0 : i32
    %dma_start3A_46 = arith.constant 0 : i32
    %dma_start3A_47 = arith.constant 0 : i32
    %dma_start3A_48 = tpu.memref_slice %arg13[%dma_start3A_45, %dma_start3A_47] : memref<4x128xi32, #tpu.memory_space<vmem>> -> memref<1x128xi32, #tpu.memory_space<vmem>>
    %dma_start3A_49 = tpu.memref_squeeze %dma_start3A_48 : memref<1x128xi32, #tpu.memory_space<vmem>> -> memref<128xi32, #tpu.memory_space<vmem>>
    %dma_start3A_50 = arith.constant 0 : i32
    %dma_start3A_51 = arith.constant 0 : i32
    %dma_start3A_52 = tpu.memref_slice %arg2[%dma_start3A_50, %dma_start3A_51] : memref<100000x128xf32, #tpu.memory_space<hbm>> -> memref<100000x128xf32, #tpu.memory_space<hbm>>
    %dma_start3A_53 = tpu.memref_slice %arg27[%dma_start3A_46] : memref<4x!tpu.dma_semaphore, #tpu.memory_space<semaphore_mem>> -> memref<1x!tpu.dma_semaphore, #tpu.memory_space<semaphore_mem>>
    %dma_start3A_54 = tpu.memref_squeeze %dma_start3A_53 : memref<1x!tpu.dma_semaphore, #tpu.memory_space<semaphore_mem>> -> memref<!tpu.dma_semaphore, #tpu.memory_space<semaphore_mem>>
    tpu.enqueue_indirect_dma source(%dma_start3A_52 : memref<100000x128xf32, #tpu.memory_space<hbm>>) target(%arg18 : memref<128x128xf32, #tpu.memory_space<vmem>>) offsets(%dma_start3A_49 : memref<128xi32, #tpu.memory_space<vmem>>) semaphore(%dma_start3A_54 : memref<!tpu.dma_semaphore, #tpu.memory_space<semaphore_mem>>)
    %dma_start3A_55 = arith.constant 1 : i32
    %dma_start3A_56 = arith.constant 1 : i32
    %dma_start3A_57 = arith.constant 0 : i32
    %dma_start3A_58 = tpu.memref_slice %arg13[%dma_start3A_55, %dma_start3A_57] : memref<4x128xi32, #tpu.memory_space<vmem>> -> memref<1x128xi32, #tpu.memory_space<vmem>>
    %dma_start3A_59 = tpu.memref_squeeze %dma_start3A_58 : memref<1x128xi32, #tpu.memory_space<vmem>> -> memref<128xi32, #tpu.memory_space<vmem>>
    %dma_start3A_60 = arith.constant 0 : i32
    %dma_start3A_61 = arith.constant 0 : i32
    %dma_start3A_62 = tpu.memref_slice %arg2[%dma_start3A_60, %dma_start3A_61] : memref<100000x128xf32, #tpu.memory_space<hbm>> -> memref<100000x128xf32, #tpu.memory_space<hbm>>
    %dma_start3A_63 = tpu.memref_slice %arg27[%dma_start3A_56] : memref<4x!tpu.dma_semaphore, #tpu.memory_space<semaphore_mem>> -> memref<1x!tpu.dma_semaphore, #tpu.memory_space<semaphore_mem>>
    %dma_start3A_64 = tpu.memref_squeeze %dma_start3A_63 : memref<1x!tpu.dma_semaphore, #tpu.memory_space<semaphore_mem>> -> memref<!tpu.dma_semaphore, #tpu.memory_space<semaphore_mem>>
    tpu.enqueue_indirect_dma source(%dma_start3A_62 : memref<100000x128xf32, #tpu.memory_space<hbm>>) target(%arg19 : memref<128x128xf32, #tpu.memory_space<vmem>>) offsets(%dma_start3A_59 : memref<128xi32, #tpu.memory_space<vmem>>) semaphore(%dma_start3A_64 : memref<!tpu.dma_semaphore, #tpu.memory_space<semaphore_mem>>)
    %dma_wait3A_65 = arith.constant 0 : i32
    %dma_wait3A_66 = arith.constant 0 : i32
    %dma_wait3A_67 = arith.constant 0 : i32
    %dma_wait3A_68 = tpu.memref_slice %arg13[%dma_wait3A_65, %dma_wait3A_67] : memref<4x128xi32, #tpu.memory_space<vmem>> -> memref<1x128xi32, #tpu.memory_space<vmem>>
    %dma_wait3A_69 = tpu.memref_squeeze %dma_wait3A_68 : memref<1x128xi32, #tpu.memory_space<vmem>> -> memref<128xi32, #tpu.memory_space<vmem>>
    %dma_wait3A_70 = arith.constant 0 : i32
    %dma_wait3A_71 = arith.constant 0 : i32
    %dma_wait3A_72 = tpu.memref_slice %arg2[%dma_wait3A_70, %dma_wait3A_71] : memref<100000x128xf32, #tpu.memory_space<hbm>> -> memref<100000x128xf32, #tpu.memory_space<hbm>>
    %dma_wait3A_73 = tpu.memref_slice %arg27[%dma_wait3A_66] : memref<4x!tpu.dma_semaphore, #tpu.memory_space<semaphore_mem>> -> memref<1x!tpu.dma_semaphore, #tpu.memory_space<semaphore_mem>>
    %dma_wait3A_74 = tpu.memref_squeeze %dma_wait3A_73 : memref<1x!tpu.dma_semaphore, #tpu.memory_space<semaphore_mem>> -> memref<!tpu.dma_semaphore, #tpu.memory_space<semaphore_mem>>
    tpu.wait_indirect_dma semaphore(%dma_wait3A_74 : memref<!tpu.dma_semaphore, #tpu.memory_space<semaphore_mem>>) src(%dma_wait3A_72 : memref<100000x128xf32, #tpu.memory_space<hbm>>) dst(%arg18 : memref<128x128xf32, #tpu.memory_space<vmem>>)
    %add3A_75 = arith.constant 0 : i32
    %add3A_76 = arith.addi %add3A_75, %mul3A_2 : i32
    %add3A_77 = arith.constant 0 : i32
    %add3A_78 = arith.addi %add3A_76, %add3A_77 : i32
    %dma_start3A_79 = arith.constant 0 : i32
    %dma_start3A_80 = arith.constant 0 : i32
    %dma_start3A_81 = tpu.memref_slice %arg12[%add3A_78, %dma_start3A_80] : memref<81920x128xf32, #tpu.memory_space<hbm>> -> memref<128x128xf32, #tpu.memory_space<hbm>>
    %dma_start3A_82 = tpu.memref_slice %arg28[%dma_start3A_79] : memref<4x!tpu.dma_semaphore, #tpu.memory_space<semaphore_mem>> -> memref<1x!tpu.dma_semaphore, #tpu.memory_space<semaphore_mem>>
    %dma_start3A_83 = tpu.memref_squeeze %dma_start3A_82 : memref<1x!tpu.dma_semaphore, #tpu.memory_space<semaphore_mem>> -> memref<!tpu.dma_semaphore, #tpu.memory_space<semaphore_mem>>
    %dma_start3A_84 = arith.constant 0 : i32
    %dma_start3A_85 = tpu.memref_slice %arg12[%add3A_78, %dma_start3A_84] : memref<81920x128xf32, #tpu.memory_space<hbm>> -> memref<128x128xf32, #tpu.memory_space<hbm>>
    tpu.enqueue_dma source(%arg18 : memref<128x128xf32, #tpu.memory_space<vmem>>) target(%dma_start3A_85 : memref<128x128xf32, #tpu.memory_space<hbm>>) target_semaphore(%dma_start3A_83 : memref<!tpu.dma_semaphore, #tpu.memory_space<semaphore_mem>>)
    %dma_start3A_86 = arith.constant 2 : i32
    %dma_start3A_87 = arith.constant 2 : i32
    %dma_start3A_88 = arith.constant 0 : i32
    %dma_start3A_89 = tpu.memref_slice %arg13[%dma_start3A_86, %dma_start3A_88] : memref<4x128xi32, #tpu.memory_space<vmem>> -> memref<1x128xi32, #tpu.memory_space<vmem>>
    %dma_start3A_90 = tpu.memref_squeeze %dma_start3A_89 : memref<1x128xi32, #tpu.memory_space<vmem>> -> memref<128xi32, #tpu.memory_space<vmem>>
    %dma_start3A_91 = arith.constant 0 : i32
    %dma_start3A_92 = arith.constant 0 : i32
    %dma_start3A_93 = tpu.memref_slice %arg2[%dma_start3A_91, %dma_start3A_92] : memref<100000x128xf32, #tpu.memory_space<hbm>> -> memref<100000x128xf32, #tpu.memory_space<hbm>>
    %dma_start3A_94 = tpu.memref_slice %arg27[%dma_start3A_87] : memref<4x!tpu.dma_semaphore, #tpu.memory_space<semaphore_mem>> -> memref<1x!tpu.dma_semaphore, #tpu.memory_space<semaphore_mem>>
    %dma_start3A_95 = tpu.memref_squeeze %dma_start3A_94 : memref<1x!tpu.dma_semaphore, #tpu.memory_space<semaphore_mem>> -> memref<!tpu.dma_semaphore, #tpu.memory_space<semaphore_mem>>
    tpu.enqueue_indirect_dma source(%dma_start3A_93 : memref<100000x128xf32, #tpu.memory_space<hbm>>) target(%arg20 : memref<128x128xf32, #tpu.memory_space<vmem>>) offsets(%dma_start3A_90 : memref<128xi32, #tpu.memory_space<vmem>>) semaphore(%dma_start3A_95 : memref<!tpu.dma_semaphore, #tpu.memory_space<semaphore_mem>>)
    %dma_wait3A_96 = arith.constant 1 : i32
    %dma_wait3A_97 = arith.constant 1 : i32
    %dma_wait3A_98 = arith.constant 0 : i32
    %dma_wait3A_99 = tpu.memref_slice %arg13[%dma_wait3A_96, %dma_wait3A_98] : memref<4x128xi32, #tpu.memory_space<vmem>> -> memref<1x128xi32, #tpu.memory_space<vmem>>
    %dma_wait3A_100 = tpu.memref_squeeze %dma_wait3A_99 : memref<1x128xi32, #tpu.memory_space<vmem>> -> memref<128xi32, #tpu.memory_space<vmem>>
    %dma_wait3A_101 = arith.constant 0 : i32
    %dma_wait3A_102 = arith.constant 0 : i32
    %dma_wait3A_103 = tpu.memref_slice %arg2[%dma_wait3A_101, %dma_wait3A_102] : memref<100000x128xf32, #tpu.memory_space<hbm>> -> memref<100000x128xf32, #tpu.memory_space<hbm>>
    %dma_wait3A_104 = tpu.memref_slice %arg27[%dma_wait3A_97] : memref<4x!tpu.dma_semaphore, #tpu.memory_space<semaphore_mem>> -> memref<1x!tpu.dma_semaphore, #tpu.memory_space<semaphore_mem>>
    %dma_wait3A_105 = tpu.memref_squeeze %dma_wait3A_104 : memref<1x!tpu.dma_semaphore, #tpu.memory_space<semaphore_mem>> -> memref<!tpu.dma_semaphore, #tpu.memory_space<semaphore_mem>>
    tpu.wait_indirect_dma semaphore(%dma_wait3A_105 : memref<!tpu.dma_semaphore, #tpu.memory_space<semaphore_mem>>) src(%dma_wait3A_103 : memref<100000x128xf32, #tpu.memory_space<hbm>>) dst(%arg19 : memref<128x128xf32, #tpu.memory_space<vmem>>)
    %add3A_106 = arith.constant 0 : i32
    %add3A_107 = arith.addi %add3A_106, %mul3A_2 : i32
    %add3A_108 = arith.constant 128 : i32
    %add3A_109 = arith.addi %add3A_107, %add3A_108 : i32
    %dma_start3A_110 = arith.constant 1 : i32
    %dma_start3A_111 = arith.constant 0 : i32
    %dma_start3A_112 = tpu.memref_slice %arg12[%add3A_109, %dma_start3A_111] : memref<81920x128xf32, #tpu.memory_space<hbm>> -> memref<128x128xf32, #tpu.memory_space<hbm>>
    %dma_start3A_113 = tpu.memref_slice %arg28[%dma_start3A_110] : memref<4x!tpu.dma_semaphore, #tpu.memory_space<semaphore_mem>> -> memref<1x!tpu.dma_semaphore, #tpu.memory_space<semaphore_mem>>
    %dma_start3A_114 = tpu.memref_squeeze %dma_start3A_113 : memref<1x!tpu.dma_semaphore, #tpu.memory_space<semaphore_mem>> -> memref<!tpu.dma_semaphore, #tpu.memory_space<semaphore_mem>>
    %dma_start3A_115 = arith.constant 0 : i32
    %dma_start3A_116 = tpu.memref_slice %arg12[%add3A_109, %dma_start3A_115] : memref<81920x128xf32, #tpu.memory_space<hbm>> -> memref<128x128xf32, #tpu.memory_space<hbm>>
    tpu.enqueue_dma source(%arg19 : memref<128x128xf32, #tpu.memory_space<vmem>>) target(%dma_start3A_116 : memref<128x128xf32, #tpu.memory_space<hbm>>) target_semaphore(%dma_start3A_114 : memref<!tpu.dma_semaphore, #tpu.memory_space<semaphore_mem>>)
    %dma_start3A_117 = arith.constant 3 : i32
    %dma_start3A_118 = arith.constant 3 : i32
    %dma_start3A_119 = arith.constant 0 : i32
    %dma_start3A_120 = tpu.memref_slice %arg13[%dma_start3A_117, %dma_start3A_119] : memref<4x128xi32, #tpu.memory_space<vmem>> -> memref<1x128xi32, #tpu.memory_space<vmem>>
    %dma_start3A_121 = tpu.memref_squeeze %dma_start3A_120 : memref<1x128xi32, #tpu.memory_space<vmem>> -> memref<128xi32, #tpu.memory_space<vmem>>
    %dma_start3A_122 = arith.constant 0 : i32
    %dma_start3A_123 = arith.constant 0 : i32
    %dma_start3A_124 = tpu.memref_slice %arg2[%dma_start3A_122, %dma_start3A_123] : memref<100000x128xf32, #tpu.memory_space<hbm>> -> memref<100000x128xf32, #tpu.memory_space<hbm>>
    %dma_start3A_125 = tpu.memref_slice %arg27[%dma_start3A_118] : memref<4x!tpu.dma_semaphore, #tpu.memory_space<semaphore_mem>> -> memref<1x!tpu.dma_semaphore, #tpu.memory_space<semaphore_mem>>
    %dma_start3A_126 = tpu.memref_squeeze %dma_start3A_125 : memref<1x!tpu.dma_semaphore, #tpu.memory_space<semaphore_mem>> -> memref<!tpu.dma_semaphore, #tpu.memory_space<semaphore_mem>>
    tpu.enqueue_indirect_dma source(%dma_start3A_124 : memref<100000x128xf32, #tpu.memory_space<hbm>>) target(%arg21 : memref<128x128xf32, #tpu.memory_space<vmem>>) offsets(%dma_start3A_121 : memref<128xi32, #tpu.memory_space<vmem>>) semaphore(%dma_start3A_126 : memref<!tpu.dma_semaphore, #tpu.memory_space<semaphore_mem>>)
    %dma_wait3A_127 = arith.constant 2 : i32
    %dma_wait3A_128 = arith.constant 2 : i32
    %dma_wait3A_129 = arith.constant 0 : i32
    %dma_wait3A_130 = tpu.memref_slice %arg13[%dma_wait3A_127, %dma_wait3A_129] : memref<4x128xi32, #tpu.memory_space<vmem>> -> memref<1x128xi32, #tpu.memory_space<vmem>>
    %dma_wait3A_131 = tpu.memref_squeeze %dma_wait3A_130 : memref<1x128xi32, #tpu.memory_space<vmem>> -> memref<128xi32, #tpu.memory_space<vmem>>
    %dma_wait3A_132 = arith.constant 0 : i32
    %dma_wait3A_133 = arith.constant 0 : i32
    %dma_wait3A_134 = tpu.memref_slice %arg2[%dma_wait3A_132, %dma_wait3A_133] : memref<100000x128xf32, #tpu.memory_space<hbm>> -> memref<100000x128xf32, #tpu.memory_space<hbm>>
    %dma_wait3A_135 = tpu.memref_slice %arg27[%dma_wait3A_128] : memref<4x!tpu.dma_semaphore, #tpu.memory_space<semaphore_mem>> -> memref<1x!tpu.dma_semaphore, #tpu.memory_space<semaphore_mem>>
    %dma_wait3A_136 = tpu.memref_squeeze %dma_wait3A_135 : memref<1x!tpu.dma_semaphore, #tpu.memory_space<semaphore_mem>> -> memref<!tpu.dma_semaphore, #tpu.memory_space<semaphore_mem>>
    tpu.wait_indirect_dma semaphore(%dma_wait3A_136 : memref<!tpu.dma_semaphore, #tpu.memory_space<semaphore_mem>>) src(%dma_wait3A_134 : memref<100000x128xf32, #tpu.memory_space<hbm>>) dst(%arg20 : memref<128x128xf32, #tpu.memory_space<vmem>>)
    %add3A_137 = arith.constant 0 : i32
    %add3A_138 = arith.addi %add3A_137, %mul3A_2 : i32
    %add3A_139 = arith.constant 256 : i32
    %add3A_140 = arith.addi %add3A_138, %add3A_139 : i32
    %dma_start3A_141 = arith.constant 2 : i32
    %dma_start3A_142 = arith.constant 0 : i32
    %dma_start3A_143 = tpu.memref_slice %arg12[%add3A_140, %dma_start3A_142] : memref<81920x128xf32, #tpu.memory_space<hbm>> -> memref<128x128xf32, #tpu.memory_space<hbm>>
    %dma_start3A_144 = tpu.memref_slice %arg28[%dma_start3A_141] : memref<4x!tpu.dma_semaphore, #tpu.memory_space<semaphore_mem>> -> memref<1x!tpu.dma_semaphore, #tpu.memory_space<semaphore_mem>>
    %dma_start3A_145 = tpu.memref_squeeze %dma_start3A_144 : memref<1x!tpu.dma_semaphore, #tpu.memory_space<semaphore_mem>> -> memref<!tpu.dma_semaphore, #tpu.memory_space<semaphore_mem>>
    %dma_start3A_146 = arith.constant 0 : i32
    %dma_start3A_147 = tpu.memref_slice %arg12[%add3A_140, %dma_start3A_146] : memref<81920x128xf32, #tpu.memory_space<hbm>> -> memref<128x128xf32, #tpu.memory_space<hbm>>
    tpu.enqueue_dma source(%arg20 : memref<128x128xf32, #tpu.memory_space<vmem>>) target(%dma_start3A_147 : memref<128x128xf32, #tpu.memory_space<hbm>>) target_semaphore(%dma_start3A_145 : memref<!tpu.dma_semaphore, #tpu.memory_space<semaphore_mem>>)
    %dma_wait3A_148 = arith.constant 0 : i32
    %dma_wait3A_149 = arith.constant 0 : i32
    %dma_wait3A_150 = tpu.memref_slice %arg12[%add3A_78, %dma_wait3A_149] : memref<81920x128xf32, #tpu.memory_space<hbm>> -> memref<128x128xf32, #tpu.memory_space<hbm>>
    %dma_wait3A_151 = tpu.memref_slice %arg28[%dma_wait3A_148] : memref<4x!tpu.dma_semaphore, #tpu.memory_space<semaphore_mem>> -> memref<1x!tpu.dma_semaphore, #tpu.memory_space<semaphore_mem>>
    %dma_wait3A_152 = tpu.memref_squeeze %dma_wait3A_151 : memref<1x!tpu.dma_semaphore, #tpu.memory_space<semaphore_mem>> -> memref<!tpu.dma_semaphore, #tpu.memory_space<semaphore_mem>>
    %dma_wait3A_153 = arith.constant 0 : i32
    %dma_wait3A_154 = tpu.memref_slice %arg12[%add3A_78, %dma_wait3A_153] : memref<81920x128xf32, #tpu.memory_space<hbm>> -> memref<128x128xf32, #tpu.memory_space<hbm>>
    tpu.wait_dma2 semaphore(%dma_wait3A_152 : memref<!tpu.dma_semaphore, #tpu.memory_space<semaphore_mem>>) src(%arg18 : memref<128x128xf32, #tpu.memory_space<vmem>>) dst(%dma_wait3A_154 : memref<128x128xf32, #tpu.memory_space<hbm>>)
    %dma_start3A_155 = arith.constant 0 : i32
    %dma_start3A_156 = arith.constant 0 : i32
    %dma_start3A_157 = arith.constant 0 : i32
    %dma_start3A_158 = tpu.memref_slice %arg16[%dma_start3A_155, %dma_start3A_157] : memref<4x128xi32, #tpu.memory_space<vmem>> -> memref<1x128xi32, #tpu.memory_space<vmem>>
    %dma_start3A_159 = tpu.memref_squeeze %dma_start3A_158 : memref<1x128xi32, #tpu.memory_space<vmem>> -> memref<128xi32, #tpu.memory_space<vmem>>
    %dma_start3A_160 = arith.constant 0 : i32
    %dma_start3A_161 = arith.constant 0 : i32
    %dma_start3A_162 = tpu.memref_slice %arg5[%dma_start3A_160, %dma_start3A_161] : memref<100000x128xf32, #tpu.memory_space<hbm>> -> memref<100000x128xf32, #tpu.memory_space<hbm>>
    %dma_start3A_163 = tpu.memref_slice %arg27[%dma_start3A_156] : memref<4x!tpu.dma_semaphore, #tpu.memory_space<semaphore_mem>> -> memref<1x!tpu.dma_semaphore, #tpu.memory_space<semaphore_mem>>
    %dma_start3A_164 = tpu.memref_squeeze %dma_start3A_163 : memref<1x!tpu.dma_semaphore, #tpu.memory_space<semaphore_mem>> -> memref<!tpu.dma_semaphore, #tpu.memory_space<semaphore_mem>>
    tpu.enqueue_indirect_dma source(%dma_start3A_162 : memref<100000x128xf32, #tpu.memory_space<hbm>>) target(%arg18 : memref<128x128xf32, #tpu.memory_space<vmem>>) offsets(%dma_start3A_159 : memref<128xi32, #tpu.memory_space<vmem>>) semaphore(%dma_start3A_164 : memref<!tpu.dma_semaphore, #tpu.memory_space<semaphore_mem>>)
    %dma_wait3A_165 = arith.constant 3 : i32
    %dma_wait3A_166 = arith.constant 3 : i32
    %dma_wait3A_167 = arith.constant 0 : i32
    %dma_wait3A_168 = tpu.memref_slice %arg13[%dma_wait3A_165, %dma_wait3A_167] : memref<4x128xi32, #tpu.memory_space<vmem>> -> memref<1x128xi32, #tpu.memory_space<vmem>>
    %dma_wait3A_169 = tpu.memref_squeeze %dma_wait3A_168 : memref<1x128xi32, #tpu.memory_space<vmem>> -> memref<128xi32, #tpu.memory_space<vmem>>
    %dma_wait3A_170 = arith.constant 0 : i32
    %dma_wait3A_171 = arith.constant 0 : i32
    %dma_wait3A_172 = tpu.memref_slice %arg2[%dma_wait3A_170, %dma_wait3A_171] : memref<100000x128xf32, #tpu.memory_space<hbm>> -> memref<100000x128xf32, #tpu.memory_space<hbm>>
    %dma_wait3A_173 = tpu.memref_slice %arg27[%dma_wait3A_166] : memref<4x!tpu.dma_semaphore, #tpu.memory_space<semaphore_mem>> -> memref<1x!tpu.dma_semaphore, #tpu.memory_space<semaphore_mem>>
    %dma_wait3A_174 = tpu.memref_squeeze %dma_wait3A_173 : memref<1x!tpu.dma_semaphore, #tpu.memory_space<semaphore_mem>> -> memref<!tpu.dma_semaphore, #tpu.memory_space<semaphore_mem>>
    tpu.wait_indirect_dma semaphore(%dma_wait3A_174 : memref<!tpu.dma_semaphore, #tpu.memory_space<semaphore_mem>>) src(%dma_wait3A_172 : memref<100000x128xf32, #tpu.memory_space<hbm>>) dst(%arg21 : memref<128x128xf32, #tpu.memory_space<vmem>>)
    %add3A_175 = arith.constant 0 : i32
    %add3A_176 = arith.addi %add3A_175, %mul3A_2 : i32
    %add3A_177 = arith.constant 384 : i32
    %add3A_178 = arith.addi %add3A_176, %add3A_177 : i32
    %dma_start3A_179 = arith.constant 3 : i32
    %dma_start3A_180 = arith.constant 0 : i32
    %dma_start3A_181 = tpu.memref_slice %arg12[%add3A_178, %dma_start3A_180] : memref<81920x128xf32, #tpu.memory_space<hbm>> -> memref<128x128xf32, #tpu.memory_space<hbm>>
    %dma_start3A_182 = tpu.memref_slice %arg28[%dma_start3A_179] : memref<4x!tpu.dma_semaphore, #tpu.memory_space<semaphore_mem>> -> memref<1x!tpu.dma_semaphore, #tpu.memory_space<semaphore_mem>>
    %dma_start3A_183 = tpu.memref_squeeze %dma_start3A_182 : memref<1x!tpu.dma_semaphore, #tpu.memory_space<semaphore_mem>> -> memref<!tpu.dma_semaphore, #tpu.memory_space<semaphore_mem>>
    %dma_start3A_184 = arith.constant 0 : i32
    %dma_start3A_185 = tpu.memref_slice %arg12[%add3A_178, %dma_start3A_184] : memref<81920x128xf32, #tpu.memory_space<hbm>> -> memref<128x128xf32, #tpu.memory_space<hbm>>
    tpu.enqueue_dma source(%arg21 : memref<128x128xf32, #tpu.memory_space<vmem>>) target(%dma_start3A_185 : memref<128x128xf32, #tpu.memory_space<hbm>>) target_semaphore(%dma_start3A_183 : memref<!tpu.dma_semaphore, #tpu.memory_space<semaphore_mem>>)
    %dma_wait3A_186 = arith.constant 1 : i32
    %dma_wait3A_187 = arith.constant 0 : i32
    %dma_wait3A_188 = tpu.memref_slice %arg12[%add3A_109, %dma_wait3A_187] : memref<81920x128xf32, #tpu.memory_space<hbm>> -> memref<128x128xf32, #tpu.memory_space<hbm>>
    %dma_wait3A_189 = tpu.memref_slice %arg28[%dma_wait3A_186] : memref<4x!tpu.dma_semaphore, #tpu.memory_space<semaphore_mem>> -> memref<1x!tpu.dma_semaphore, #tpu.memory_space<semaphore_mem>>
    %dma_wait3A_190 = tpu.memref_squeeze %dma_wait3A_189 : memref<1x!tpu.dma_semaphore, #tpu.memory_space<semaphore_mem>> -> memref<!tpu.dma_semaphore, #tpu.memory_space<semaphore_mem>>
    %dma_wait3A_191 = arith.constant 0 : i32
    %dma_wait3A_192 = tpu.memref_slice %arg12[%add3A_109, %dma_wait3A_191] : memref<81920x128xf32, #tpu.memory_space<hbm>> -> memref<128x128xf32, #tpu.memory_space<hbm>>
    tpu.wait_dma2 semaphore(%dma_wait3A_190 : memref<!tpu.dma_semaphore, #tpu.memory_space<semaphore_mem>>) src(%arg19 : memref<128x128xf32, #tpu.memory_space<vmem>>) dst(%dma_wait3A_192 : memref<128x128xf32, #tpu.memory_space<hbm>>)
    %dma_start3A_193 = arith.constant 1 : i32
    %dma_start3A_194 = arith.constant 1 : i32
    %dma_start3A_195 = arith.constant 0 : i32
    %dma_start3A_196 = tpu.memref_slice %arg16[%dma_start3A_193, %dma_start3A_195] : memref<4x128xi32, #tpu.memory_space<vmem>> -> memref<1x128xi32, #tpu.memory_space<vmem>>
    %dma_start3A_197 = tpu.memref_squeeze %dma_start3A_196 : memref<1x128xi32, #tpu.memory_space<vmem>> -> memref<128xi32, #tpu.memory_space<vmem>>
    %dma_start3A_198 = arith.constant 0 : i32
    %dma_start3A_199 = arith.constant 0 : i32
    %dma_start3A_200 = tpu.memref_slice %arg5[%dma_start3A_198, %dma_start3A_199] : memref<100000x128xf32, #tpu.memory_space<hbm>> -> memref<100000x128xf32, #tpu.memory_space<hbm>>
    %dma_start3A_201 = tpu.memref_slice %arg27[%dma_start3A_194] : memref<4x!tpu.dma_semaphore, #tpu.memory_space<semaphore_mem>> -> memref<1x!tpu.dma_semaphore, #tpu.memory_space<semaphore_mem>>
    %dma_start3A_202 = tpu.memref_squeeze %dma_start3A_201 : memref<1x!tpu.dma_semaphore, #tpu.memory_space<semaphore_mem>> -> memref<!tpu.dma_semaphore, #tpu.memory_space<semaphore_mem>>
    tpu.enqueue_indirect_dma source(%dma_start3A_200 : memref<100000x128xf32, #tpu.memory_space<hbm>>) target(%arg19 : memref<128x128xf32, #tpu.memory_space<vmem>>) offsets(%dma_start3A_197 : memref<128xi32, #tpu.memory_space<vmem>>) semaphore(%dma_start3A_202 : memref<!tpu.dma_semaphore, #tpu.memory_space<semaphore_mem>>)
    %dma_wait3A_203 = arith.constant 0 : i32
    %dma_wait3A_204 = arith.constant 0 : i32
    %dma_wait3A_205 = arith.constant 0 : i32
    %dma_wait3A_206 = tpu.memref_slice %arg16[%dma_wait3A_203, %dma_wait3A_205] : memref<4x128xi32, #tpu.memory_space<vmem>> -> memref<1x128xi32, #tpu.memory_space<vmem>>
    %dma_wait3A_207 = tpu.memref_squeeze %dma_wait3A_206 : memref<1x128xi32, #tpu.memory_space<vmem>> -> memref<128xi32, #tpu.memory_space<vmem>>
    %dma_wait3A_208 = arith.constant 0 : i32
    %dma_wait3A_209 = arith.constant 0 : i32
    %dma_wait3A_210 = tpu.memref_slice %arg5[%dma_wait3A_208, %dma_wait3A_209] : memref<100000x128xf32, #tpu.memory_space<hbm>> -> memref<100000x128xf32, #tpu.memory_space<hbm>>
    %dma_wait3A_211 = tpu.memref_slice %arg27[%dma_wait3A_204] : memref<4x!tpu.dma_semaphore, #tpu.memory_space<semaphore_mem>> -> memref<1x!tpu.dma_semaphore, #tpu.memory_space<semaphore_mem>>
    %dma_wait3A_212 = tpu.memref_squeeze %dma_wait3A_211 : memref<1x!tpu.dma_semaphore, #tpu.memory_space<semaphore_mem>> -> memref<!tpu.dma_semaphore, #tpu.memory_space<semaphore_mem>>
    tpu.wait_indirect_dma semaphore(%dma_wait3A_212 : memref<!tpu.dma_semaphore, #tpu.memory_space<semaphore_mem>>) src(%dma_wait3A_210 : memref<100000x128xf32, #tpu.memory_space<hbm>>) dst(%arg18 : memref<128x128xf32, #tpu.memory_space<vmem>>)
    %add3A_213 = arith.constant 49152 : i32
    %add3A_214 = arith.addi %add3A_213, %mul3A_2 : i32
    %add3A_215 = arith.constant 0 : i32
    %add3A_216 = arith.addi %add3A_214, %add3A_215 : i32
    %dma_start3A_217 = arith.constant 0 : i32
    %dma_start3A_218 = arith.constant 0 : i32
    %dma_start3A_219 = tpu.memref_slice %arg12[%add3A_216, %dma_start3A_218] : memref<81920x128xf32, #tpu.memory_space<hbm>> -> memref<128x128xf32, #tpu.memory_space<hbm>>
    %dma_start3A_220 = tpu.memref_slice %arg28[%dma_start3A_217] : memref<4x!tpu.dma_semaphore, #tpu.memory_space<semaphore_mem>> -> memref<1x!tpu.dma_semaphore, #tpu.memory_space<semaphore_mem>>
    %dma_start3A_221 = tpu.memref_squeeze %dma_start3A_220 : memref<1x!tpu.dma_semaphore, #tpu.memory_space<semaphore_mem>> -> memref<!tpu.dma_semaphore, #tpu.memory_space<semaphore_mem>>
    %dma_start3A_222 = arith.constant 0 : i32
    %dma_start3A_223 = tpu.memref_slice %arg12[%add3A_216, %dma_start3A_222] : memref<81920x128xf32, #tpu.memory_space<hbm>> -> memref<128x128xf32, #tpu.memory_space<hbm>>
    tpu.enqueue_dma source(%arg18 : memref<128x128xf32, #tpu.memory_space<vmem>>) target(%dma_start3A_223 : memref<128x128xf32, #tpu.memory_space<hbm>>) target_semaphore(%dma_start3A_221 : memref<!tpu.dma_semaphore, #tpu.memory_space<semaphore_mem>>)
    %dma_wait3A_224 = arith.constant 2 : i32
    %dma_wait3A_225 = arith.constant 0 : i32
    %dma_wait3A_226 = tpu.memref_slice %arg12[%add3A_140, %dma_wait3A_225] : memref<81920x128xf32, #tpu.memory_space<hbm>> -> memref<128x128xf32, #tpu.memory_space<hbm>>
    %dma_wait3A_227 = tpu.memref_slice %arg28[%dma_wait3A_224] : memref<4x!tpu.dma_semaphore, #tpu.memory_space<semaphore_mem>> -> memref<1x!tpu.dma_semaphore, #tpu.memory_space<semaphore_mem>>
    %dma_wait3A_228 = tpu.memref_squeeze %dma_wait3A_227 : memref<1x!tpu.dma_semaphore, #tpu.memory_space<semaphore_mem>> -> memref<!tpu.dma_semaphore, #tpu.memory_space<semaphore_mem>>
    %dma_wait3A_229 = arith.constant 0 : i32
    %dma_wait3A_230 = tpu.memref_slice %arg12[%add3A_140, %dma_wait3A_229] : memref<81920x128xf32, #tpu.memory_space<hbm>> -> memref<128x128xf32, #tpu.memory_space<hbm>>
    tpu.wait_dma2 semaphore(%dma_wait3A_228 : memref<!tpu.dma_semaphore, #tpu.memory_space<semaphore_mem>>) src(%arg20 : memref<128x128xf32, #tpu.memory_space<vmem>>) dst(%dma_wait3A_230 : memref<128x128xf32, #tpu.memory_space<hbm>>)
    %dma_start3A_231 = arith.constant 2 : i32
    %dma_start3A_232 = arith.constant 2 : i32
    %dma_start3A_233 = arith.constant 0 : i32
    %dma_start3A_234 = tpu.memref_slice %arg16[%dma_start3A_231, %dma_start3A_233] : memref<4x128xi32, #tpu.memory_space<vmem>> -> memref<1x128xi32, #tpu.memory_space<vmem>>
    %dma_start3A_235 = tpu.memref_squeeze %dma_start3A_234 : memref<1x128xi32, #tpu.memory_space<vmem>> -> memref<128xi32, #tpu.memory_space<vmem>>
    %dma_start3A_236 = arith.constant 0 : i32
    %dma_start3A_237 = arith.constant 0 : i32
    %dma_start3A_238 = tpu.memref_slice %arg5[%dma_start3A_236, %dma_start3A_237] : memref<100000x128xf32, #tpu.memory_space<hbm>> -> memref<100000x128xf32, #tpu.memory_space<hbm>>
    %dma_start3A_239 = tpu.memref_slice %arg27[%dma_start3A_232] : memref<4x!tpu.dma_semaphore, #tpu.memory_space<semaphore_mem>> -> memref<1x!tpu.dma_semaphore, #tpu.memory_space<semaphore_mem>>
    %dma_start3A_240 = tpu.memref_squeeze %dma_start3A_239 : memref<1x!tpu.dma_semaphore, #tpu.memory_space<semaphore_mem>> -> memref<!tpu.dma_semaphore, #tpu.memory_space<semaphore_mem>>
    tpu.enqueue_indirect_dma source(%dma_start3A_238 : memref<100000x128xf32, #tpu.memory_space<hbm>>) target(%arg20 : memref<128x128xf32, #tpu.memory_space<vmem>>) offsets(%dma_start3A_235 : memref<128xi32, #tpu.memory_space<vmem>>) semaphore(%dma_start3A_240 : memref<!tpu.dma_semaphore, #tpu.memory_space<semaphore_mem>>)
    %dma_wait3A_241 = arith.constant 1 : i32
    %dma_wait3A_242 = arith.constant 1 : i32
    %dma_wait3A_243 = arith.constant 0 : i32
    %dma_wait3A_244 = tpu.memref_slice %arg16[%dma_wait3A_241, %dma_wait3A_243] : memref<4x128xi32, #tpu.memory_space<vmem>> -> memref<1x128xi32, #tpu.memory_space<vmem>>
    %dma_wait3A_245 = tpu.memref_squeeze %dma_wait3A_244 : memref<1x128xi32, #tpu.memory_space<vmem>> -> memref<128xi32, #tpu.memory_space<vmem>>
    %dma_wait3A_246 = arith.constant 0 : i32
    %dma_wait3A_247 = arith.constant 0 : i32
    %dma_wait3A_248 = tpu.memref_slice %arg5[%dma_wait3A_246, %dma_wait3A_247] : memref<100000x128xf32, #tpu.memory_space<hbm>> -> memref<100000x128xf32, #tpu.memory_space<hbm>>
    %dma_wait3A_249 = tpu.memref_slice %arg27[%dma_wait3A_242] : memref<4x!tpu.dma_semaphore, #tpu.memory_space<semaphore_mem>> -> memref<1x!tpu.dma_semaphore, #tpu.memory_space<semaphore_mem>>
    %dma_wait3A_250 = tpu.memref_squeeze %dma_wait3A_249 : memref<1x!tpu.dma_semaphore, #tpu.memory_space<semaphore_mem>> -> memref<!tpu.dma_semaphore, #tpu.memory_space<semaphore_mem>>
    tpu.wait_indirect_dma semaphore(%dma_wait3A_250 : memref<!tpu.dma_semaphore, #tpu.memory_space<semaphore_mem>>) src(%dma_wait3A_248 : memref<100000x128xf32, #tpu.memory_space<hbm>>) dst(%arg19 : memref<128x128xf32, #tpu.memory_space<vmem>>)
    %add3A_251 = arith.constant 49152 : i32
    %add3A_252 = arith.addi %add3A_251, %mul3A_2 : i32
    %add3A_253 = arith.constant 128 : i32
    %add3A_254 = arith.addi %add3A_252, %add3A_253 : i32
    %dma_start3A_255 = arith.constant 1 : i32
    %dma_start3A_256 = arith.constant 0 : i32
    %dma_start3A_257 = tpu.memref_slice %arg12[%add3A_254, %dma_start3A_256] : memref<81920x128xf32, #tpu.memory_space<hbm>> -> memref<128x128xf32, #tpu.memory_space<hbm>>
    %dma_start3A_258 = tpu.memref_slice %arg28[%dma_start3A_255] : memref<4x!tpu.dma_semaphore, #tpu.memory_space<semaphore_mem>> -> memref<1x!tpu.dma_semaphore, #tpu.memory_space<semaphore_mem>>
    %dma_start3A_259 = tpu.memref_squeeze %dma_start3A_258 : memref<1x!tpu.dma_semaphore, #tpu.memory_space<semaphore_mem>> -> memref<!tpu.dma_semaphore, #tpu.memory_space<semaphore_mem>>
    %dma_start3A_260 = arith.constant 0 : i32
    %dma_start3A_261 = tpu.memref_slice %arg12[%add3A_254, %dma_start3A_260] : memref<81920x128xf32, #tpu.memory_space<hbm>> -> memref<128x128xf32, #tpu.memory_space<hbm>>
    tpu.enqueue_dma source(%arg19 : memref<128x128xf32, #tpu.memory_space<vmem>>) target(%dma_start3A_261 : memref<128x128xf32, #tpu.memory_space<hbm>>) target_semaphore(%dma_start3A_259 : memref<!tpu.dma_semaphore, #tpu.memory_space<semaphore_mem>>)
    %dma_wait3A_262 = arith.constant 3 : i32
    %dma_wait3A_263 = arith.constant 0 : i32
    %dma_wait3A_264 = tpu.memref_slice %arg12[%add3A_178, %dma_wait3A_263] : memref<81920x128xf32, #tpu.memory_space<hbm>> -> memref<128x128xf32, #tpu.memory_space<hbm>>
    %dma_wait3A_265 = tpu.memref_slice %arg28[%dma_wait3A_262] : memref<4x!tpu.dma_semaphore, #tpu.memory_space<semaphore_mem>> -> memref<1x!tpu.dma_semaphore, #tpu.memory_space<semaphore_mem>>
    %dma_wait3A_266 = tpu.memref_squeeze %dma_wait3A_265 : memref<1x!tpu.dma_semaphore, #tpu.memory_space<semaphore_mem>> -> memref<!tpu.dma_semaphore, #tpu.memory_space<semaphore_mem>>
    %dma_wait3A_267 = arith.constant 0 : i32
    %dma_wait3A_268 = tpu.memref_slice %arg12[%add3A_178, %dma_wait3A_267] : memref<81920x128xf32, #tpu.memory_space<hbm>> -> memref<128x128xf32, #tpu.memory_space<hbm>>
    tpu.wait_dma2 semaphore(%dma_wait3A_266 : memref<!tpu.dma_semaphore, #tpu.memory_space<semaphore_mem>>) src(%arg21 : memref<128x128xf32, #tpu.memory_space<vmem>>) dst(%dma_wait3A_268 : memref<128x128xf32, #tpu.memory_space<hbm>>)
    %dma_start3A_269 = arith.constant 3 : i32
    %dma_start3A_270 = arith.constant 3 : i32
    %dma_start3A_271 = arith.constant 0 : i32
    %dma_start3A_272 = tpu.memref_slice %arg16[%dma_start3A_269, %dma_start3A_271] : memref<4x128xi32, #tpu.memory_space<vmem>> -> memref<1x128xi32, #tpu.memory_space<vmem>>
    %dma_start3A_273 = tpu.memref_squeeze %dma_start3A_272 : memref<1x128xi32, #tpu.memory_space<vmem>> -> memref<128xi32, #tpu.memory_space<vmem>>
    %dma_start3A_274 = arith.constant 0 : i32
    %dma_start3A_275 = arith.constant 0 : i32
    %dma_start3A_276 = tpu.memref_slice %arg5[%dma_start3A_274, %dma_start3A_275] : memref<100000x128xf32, #tpu.memory_space<hbm>> -> memref<100000x128xf32, #tpu.memory_space<hbm>>
    %dma_start3A_277 = tpu.memref_slice %arg27[%dma_start3A_270] : memref<4x!tpu.dma_semaphore, #tpu.memory_space<semaphore_mem>> -> memref<1x!tpu.dma_semaphore, #tpu.memory_space<semaphore_mem>>
    %dma_start3A_278 = tpu.memref_squeeze %dma_start3A_277 : memref<1x!tpu.dma_semaphore, #tpu.memory_space<semaphore_mem>> -> memref<!tpu.dma_semaphore, #tpu.memory_space<semaphore_mem>>
    tpu.enqueue_indirect_dma source(%dma_start3A_276 : memref<100000x128xf32, #tpu.memory_space<hbm>>) target(%arg21 : memref<128x128xf32, #tpu.memory_space<vmem>>) offsets(%dma_start3A_273 : memref<128xi32, #tpu.memory_space<vmem>>) semaphore(%dma_start3A_278 : memref<!tpu.dma_semaphore, #tpu.memory_space<semaphore_mem>>)
    %dma_wait3A_279 = arith.constant 2 : i32
    %dma_wait3A_280 = arith.constant 2 : i32
    %dma_wait3A_281 = arith.constant 0 : i32
    %dma_wait3A_282 = tpu.memref_slice %arg16[%dma_wait3A_279, %dma_wait3A_281] : memref<4x128xi32, #tpu.memory_space<vmem>> -> memref<1x128xi32, #tpu.memory_space<vmem>>
    %dma_wait3A_283 = tpu.memref_squeeze %dma_wait3A_282 : memref<1x128xi32, #tpu.memory_space<vmem>> -> memref<128xi32, #tpu.memory_space<vmem>>
    %dma_wait3A_284 = arith.constant 0 : i32
    %dma_wait3A_285 = arith.constant 0 : i32
    %dma_wait3A_286 = tpu.memref_slice %arg5[%dma_wait3A_284, %dma_wait3A_285] : memref<100000x128xf32, #tpu.memory_space<hbm>> -> memref<100000x128xf32, #tpu.memory_space<hbm>>
    %dma_wait3A_287 = tpu.memref_slice %arg27[%dma_wait3A_280] : memref<4x!tpu.dma_semaphore, #tpu.memory_space<semaphore_mem>> -> memref<1x!tpu.dma_semaphore, #tpu.memory_space<semaphore_mem>>
    %dma_wait3A_288 = tpu.memref_squeeze %dma_wait3A_287 : memref<1x!tpu.dma_semaphore, #tpu.memory_space<semaphore_mem>> -> memref<!tpu.dma_semaphore, #tpu.memory_space<semaphore_mem>>
    tpu.wait_indirect_dma semaphore(%dma_wait3A_288 : memref<!tpu.dma_semaphore, #tpu.memory_space<semaphore_mem>>) src(%dma_wait3A_286 : memref<100000x128xf32, #tpu.memory_space<hbm>>) dst(%arg20 : memref<128x128xf32, #tpu.memory_space<vmem>>)
    %add3A_289 = arith.constant 49152 : i32
    %add3A_290 = arith.addi %add3A_289, %mul3A_2 : i32
    %add3A_291 = arith.constant 256 : i32
    %add3A_292 = arith.addi %add3A_290, %add3A_291 : i32
    %dma_start3A_293 = arith.constant 2 : i32
    %dma_start3A_294 = arith.constant 0 : i32
    %dma_start3A_295 = tpu.memref_slice %arg12[%add3A_292, %dma_start3A_294] : memref<81920x128xf32, #tpu.memory_space<hbm>> -> memref<128x128xf32, #tpu.memory_space<hbm>>
    %dma_start3A_296 = tpu.memref_slice %arg28[%dma_start3A_293] : memref<4x!tpu.dma_semaphore, #tpu.memory_space<semaphore_mem>> -> memref<1x!tpu.dma_semaphore, #tpu.memory_space<semaphore_mem>>
    %dma_start3A_297 = tpu.memref_squeeze %dma_start3A_296 : memref<1x!tpu.dma_semaphore, #tpu.memory_space<semaphore_mem>> -> memref<!tpu.dma_semaphore, #tpu.memory_space<semaphore_mem>>
    %dma_start3A_298 = arith.constant 0 : i32
    %dma_start3A_299 = tpu.memref_slice %arg12[%add3A_292, %dma_start3A_298] : memref<81920x128xf32, #tpu.memory_space<hbm>> -> memref<128x128xf32, #tpu.memory_space<hbm>>
    tpu.enqueue_dma source(%arg20 : memref<128x128xf32, #tpu.memory_space<vmem>>) target(%dma_start3A_299 : memref<128x128xf32, #tpu.memory_space<hbm>>) target_semaphore(%dma_start3A_297 : memref<!tpu.dma_semaphore, #tpu.memory_space<semaphore_mem>>)
    %eq3A_300 = arith.constant 0 : i32
    %eq3A_301 = arith.cmpi eq, %arg1, %eq3A_300 : i32
    %convert_element_type3A_302 = arith.extui %eq3A_301 : i1 to i32
    %cond3A_303 = arith.constant 0 : i32
    %cond3A_304 = arith.cmpi ne, %convert_element_type3A_302, %cond3A_303 : i32
    scf.if %cond3A_304 {
      tpu.wait_dma2 semaphore(%arg26 : memref<!tpu.dma_semaphore, #tpu.memory_space<semaphore_mem>>) src(%arg3 : memref<1000x128xf32, #tpu.memory_space<hbm>>) dst(%arg22 : memref<1000x128xf32, #tpu.memory_space<vmem_shared>>)
      tpu.wait_dma2 semaphore(%arg26 : memref<!tpu.dma_semaphore, #tpu.memory_space<semaphore_mem>>) src(%arg4 : memref<1000x128xf32, #tpu.memory_space<hbm>>) dst(%arg23 : memref<1000x128xf32, #tpu.memory_space<vmem_shared>>)
      tpu.wait_dma2 semaphore(%arg26 : memref<!tpu.dma_semaphore, #tpu.memory_space<semaphore_mem>>) src(%arg6 : memref<1000x128xf32, #tpu.memory_space<hbm>>) dst(%arg24 : memref<1000x128xf32, #tpu.memory_space<vmem_shared>>)
    } else {
    }
    %barrier3A = arith.constant 0 : index
    tpu.barrier barrier_id(%barrier3A)
    %dma_wait3A_305 = arith.constant 0 : i32
    %dma_wait3A_306 = arith.constant 0 : i32
    %dma_wait3A_307 = tpu.memref_slice %arg12[%add3A_216, %dma_wait3A_306] : memref<81920x128xf32, #tpu.memory_space<hbm>> -> memref<128x128xf32, #tpu.memory_space<hbm>>
    %dma_wait3A_308 = tpu.memref_slice %arg28[%dma_wait3A_305] : memref<4x!tpu.dma_semaphore, #tpu.memory_space<semaphore_mem>> -> memref<1x!tpu.dma_semaphore, #tpu.memory_space<semaphore_mem>>
    %dma_wait3A_309 = tpu.memref_squeeze %dma_wait3A_308 : memref<1x!tpu.dma_semaphore, #tpu.memory_space<semaphore_mem>> -> memref<!tpu.dma_semaphore, #tpu.memory_space<semaphore_mem>>
    %dma_wait3A_310 = arith.constant 0 : i32
    %dma_wait3A_311 = tpu.memref_slice %arg12[%add3A_216, %dma_wait3A_310] : memref<81920x128xf32, #tpu.memory_space<hbm>> -> memref<128x128xf32, #tpu.memory_space<hbm>>
    tpu.wait_dma2 semaphore(%dma_wait3A_309 : memref<!tpu.dma_semaphore, #tpu.memory_space<semaphore_mem>>) src(%arg18 : memref<128x128xf32, #tpu.memory_space<vmem>>) dst(%dma_wait3A_311 : memref<128x128xf32, #tpu.memory_space<hbm>>)
    %dma_start3A_312 = arith.constant 0 : i32
    %dma_start3A_313 = arith.constant 0 : i32
    %dma_start3A_314 = arith.constant 0 : i32
    %dma_start3A_315 = tpu.memref_slice %arg14[%dma_start3A_312, %dma_start3A_314] : memref<4x128xi32, #tpu.memory_space<vmem>> -> memref<1x128xi32, #tpu.memory_space<vmem>>
    %dma_start3A_316 = tpu.memref_squeeze %dma_start3A_315 : memref<1x128xi32, #tpu.memory_space<vmem>> -> memref<128xi32, #tpu.memory_space<vmem>>
    %dma_start3A_317 = arith.constant 0 : i32
    %dma_start3A_318 = arith.constant 0 : i32
    %dma_start3A_319 = tpu.memref_slice %arg22[%dma_start3A_317, %dma_start3A_318] : memref<1000x128xf32, #tpu.memory_space<vmem_shared>> -> memref<1000x128xf32, #tpu.memory_space<vmem_shared>>
    %dma_start3A_320 = tpu.memref_slice %arg27[%dma_start3A_313] : memref<4x!tpu.dma_semaphore, #tpu.memory_space<semaphore_mem>> -> memref<1x!tpu.dma_semaphore, #tpu.memory_space<semaphore_mem>>
    %dma_start3A_321 = tpu.memref_squeeze %dma_start3A_320 : memref<1x!tpu.dma_semaphore, #tpu.memory_space<semaphore_mem>> -> memref<!tpu.dma_semaphore, #tpu.memory_space<semaphore_mem>>
    tpu.enqueue_indirect_dma source(%dma_start3A_319 : memref<1000x128xf32, #tpu.memory_space<vmem_shared>>) target(%arg18 : memref<128x128xf32, #tpu.memory_space<vmem>>) offsets(%dma_start3A_316 : memref<128xi32, #tpu.memory_space<vmem>>) semaphore(%dma_start3A_321 : memref<!tpu.dma_semaphore, #tpu.memory_space<semaphore_mem>>)
    %dma_wait3A_322 = arith.constant 3 : i32
    %dma_wait3A_323 = arith.constant 3 : i32
    %dma_wait3A_324 = arith.constant 0 : i32
    %dma_wait3A_325 = tpu.memref_slice %arg16[%dma_wait3A_322, %dma_wait3A_324] : memref<4x128xi32, #tpu.memory_space<vmem>> -> memref<1x128xi32, #tpu.memory_space<vmem>>
    %dma_wait3A_326 = tpu.memref_squeeze %dma_wait3A_325 : memref<1x128xi32, #tpu.memory_space<vmem>> -> memref<128xi32, #tpu.memory_space<vmem>>
    %dma_wait3A_327 = arith.constant 0 : i32
    %dma_wait3A_328 = arith.constant 0 : i32
    %dma_wait3A_329 = tpu.memref_slice %arg5[%dma_wait3A_327, %dma_wait3A_328] : memref<100000x128xf32, #tpu.memory_space<hbm>> -> memref<100000x128xf32, #tpu.memory_space<hbm>>
    %dma_wait3A_330 = tpu.memref_slice %arg27[%dma_wait3A_323] : memref<4x!tpu.dma_semaphore, #tpu.memory_space<semaphore_mem>> -> memref<1x!tpu.dma_semaphore, #tpu.memory_space<semaphore_mem>>
    %dma_wait3A_331 = tpu.memref_squeeze %dma_wait3A_330 : memref<1x!tpu.dma_semaphore, #tpu.memory_space<semaphore_mem>> -> memref<!tpu.dma_semaphore, #tpu.memory_space<semaphore_mem>>
    tpu.wait_indirect_dma semaphore(%dma_wait3A_331 : memref<!tpu.dma_semaphore, #tpu.memory_space<semaphore_mem>>) src(%dma_wait3A_329 : memref<100000x128xf32, #tpu.memory_space<hbm>>) dst(%arg21 : memref<128x128xf32, #tpu.memory_space<vmem>>)
    %add3A_332 = arith.constant 49152 : i32
    %add3A_333 = arith.addi %add3A_332, %mul3A_2 : i32
    %add3A_334 = arith.constant 384 : i32
    %add3A_335 = arith.addi %add3A_333, %add3A_334 : i32
    %dma_start3A_336 = arith.constant 3 : i32
    %dma_start3A_337 = arith.constant 0 : i32
    %dma_start3A_338 = tpu.memref_slice %arg12[%add3A_335, %dma_start3A_337] : memref<81920x128xf32, #tpu.memory_space<hbm>> -> memref<128x128xf32, #tpu.memory_space<hbm>>
    %dma_start3A_339 = tpu.memref_slice %arg28[%dma_start3A_336] : memref<4x!tpu.dma_semaphore, #tpu.memory_space<semaphore_mem>> -> memref<1x!tpu.dma_semaphore, #tpu.memory_space<semaphore_mem>>
    %dma_start3A_340 = tpu.memref_squeeze %dma_start3A_339 : memref<1x!tpu.dma_semaphore, #tpu.memory_space<semaphore_mem>> -> memref<!tpu.dma_semaphore, #tpu.memory_space<semaphore_mem>>
    %dma_start3A_341 = arith.constant 0 : i32
    %dma_start3A_342 = tpu.memref_slice %arg12[%add3A_335, %dma_start3A_341] : memref<81920x128xf32, #tpu.memory_space<hbm>> -> memref<128x128xf32, #tpu.memory_space<hbm>>
    tpu.enqueue_dma source(%arg21 : memref<128x128xf32, #tpu.memory_space<vmem>>) target(%dma_start3A_342 : memref<128x128xf32, #tpu.memory_space<hbm>>) target_semaphore(%dma_start3A_340 : memref<!tpu.dma_semaphore, #tpu.memory_space<semaphore_mem>>)
    %dma_wait3A_343 = arith.constant 1 : i32
    %dma_wait3A_344 = arith.constant 0 : i32
    %dma_wait3A_345 = tpu.memref_slice %arg12[%add3A_254, %dma_wait3A_344] : memref<81920x128xf32, #tpu.memory_space<hbm>> -> memref<128x128xf32, #tpu.memory_space<hbm>>
    %dma_wait3A_346 = tpu.memref_slice %arg28[%dma_wait3A_343] : memref<4x!tpu.dma_semaphore, #tpu.memory_space<semaphore_mem>> -> memref<1x!tpu.dma_semaphore, #tpu.memory_space<semaphore_mem>>
    %dma_wait3A_347 = tpu.memref_squeeze %dma_wait3A_346 : memref<1x!tpu.dma_semaphore, #tpu.memory_space<semaphore_mem>> -> memref<!tpu.dma_semaphore, #tpu.memory_space<semaphore_mem>>
    %dma_wait3A_348 = arith.constant 0 : i32
    %dma_wait3A_349 = tpu.memref_slice %arg12[%add3A_254, %dma_wait3A_348] : memref<81920x128xf32, #tpu.memory_space<hbm>> -> memref<128x128xf32, #tpu.memory_space<hbm>>
    tpu.wait_dma2 semaphore(%dma_wait3A_347 : memref<!tpu.dma_semaphore, #tpu.memory_space<semaphore_mem>>) src(%arg19 : memref<128x128xf32, #tpu.memory_space<vmem>>) dst(%dma_wait3A_349 : memref<128x128xf32, #tpu.memory_space<hbm>>)
    %dma_start3A_350 = arith.constant 1 : i32
    %dma_start3A_351 = arith.constant 1 : i32
    %dma_start3A_352 = arith.constant 0 : i32
    %dma_start3A_353 = tpu.memref_slice %arg14[%dma_start3A_350, %dma_start3A_352] : memref<4x128xi32, #tpu.memory_space<vmem>> -> memref<1x128xi32, #tpu.memory_space<vmem>>
    %dma_start3A_354 = tpu.memref_squeeze %dma_start3A_353 : memref<1x128xi32, #tpu.memory_space<vmem>> -> memref<128xi32, #tpu.memory_space<vmem>>
    %dma_start3A_355 = arith.constant 0 : i32
    %dma_start3A_356 = arith.constant 0 : i32
    %dma_start3A_357 = tpu.memref_slice %arg22[%dma_start3A_355, %dma_start3A_356] : memref<1000x128xf32, #tpu.memory_space<vmem_shared>> -> memref<1000x128xf32, #tpu.memory_space<vmem_shared>>
    %dma_start3A_358 = tpu.memref_slice %arg27[%dma_start3A_351] : memref<4x!tpu.dma_semaphore, #tpu.memory_space<semaphore_mem>> -> memref<1x!tpu.dma_semaphore, #tpu.memory_space<semaphore_mem>>
    %dma_start3A_359 = tpu.memref_squeeze %dma_start3A_358 : memref<1x!tpu.dma_semaphore, #tpu.memory_space<semaphore_mem>> -> memref<!tpu.dma_semaphore, #tpu.memory_space<semaphore_mem>>
    tpu.enqueue_indirect_dma source(%dma_start3A_357 : memref<1000x128xf32, #tpu.memory_space<vmem_shared>>) target(%arg19 : memref<128x128xf32, #tpu.memory_space<vmem>>) offsets(%dma_start3A_354 : memref<128xi32, #tpu.memory_space<vmem>>) semaphore(%dma_start3A_359 : memref<!tpu.dma_semaphore, #tpu.memory_space<semaphore_mem>>)
    %dma_wait3A_360 = arith.constant 0 : i32
    %dma_wait3A_361 = arith.constant 0 : i32
    %dma_wait3A_362 = arith.constant 0 : i32
    %dma_wait3A_363 = tpu.memref_slice %arg14[%dma_wait3A_360, %dma_wait3A_362] : memref<4x128xi32, #tpu.memory_space<vmem>> -> memref<1x128xi32, #tpu.memory_space<vmem>>
    %dma_wait3A_364 = tpu.memref_squeeze %dma_wait3A_363 : memref<1x128xi32, #tpu.memory_space<vmem>> -> memref<128xi32, #tpu.memory_space<vmem>>
    %dma_wait3A_365 = arith.constant 0 : i32
    %dma_wait3A_366 = arith.constant 0 : i32
    %dma_wait3A_367 = tpu.memref_slice %arg22[%dma_wait3A_365, %dma_wait3A_366] : memref<1000x128xf32, #tpu.memory_space<vmem_shared>> -> memref<1000x128xf32, #tpu.memory_space<vmem_shared>>
    %dma_wait3A_368 = tpu.memref_slice %arg27[%dma_wait3A_361] : memref<4x!tpu.dma_semaphore, #tpu.memory_space<semaphore_mem>> -> memref<1x!tpu.dma_semaphore, #tpu.memory_space<semaphore_mem>>
    %dma_wait3A_369 = tpu.memref_squeeze %dma_wait3A_368 : memref<1x!tpu.dma_semaphore, #tpu.memory_space<semaphore_mem>> -> memref<!tpu.dma_semaphore, #tpu.memory_space<semaphore_mem>>
    tpu.wait_indirect_dma semaphore(%dma_wait3A_369 : memref<!tpu.dma_semaphore, #tpu.memory_space<semaphore_mem>>) src(%dma_wait3A_367 : memref<1000x128xf32, #tpu.memory_space<vmem_shared>>) dst(%arg18 : memref<128x128xf32, #tpu.memory_space<vmem>>)
    %add3A_370 = arith.constant 16384 : i32
    %add3A_371 = arith.addi %add3A_370, %mul3A_2 : i32
    %add3A_372 = arith.constant 0 : i32
    %add3A_373 = arith.addi %add3A_371, %add3A_372 : i32
    %dma_start3A_374 = arith.constant 0 : i32
    %dma_start3A_375 = arith.constant 0 : i32
    %dma_start3A_376 = tpu.memref_slice %arg12[%add3A_373, %dma_start3A_375] : memref<81920x128xf32, #tpu.memory_space<hbm>> -> memref<128x128xf32, #tpu.memory_space<hbm>>
    %dma_start3A_377 = tpu.memref_slice %arg28[%dma_start3A_374] : memref<4x!tpu.dma_semaphore, #tpu.memory_space<semaphore_mem>> -> memref<1x!tpu.dma_semaphore, #tpu.memory_space<semaphore_mem>>
    %dma_start3A_378 = tpu.memref_squeeze %dma_start3A_377 : memref<1x!tpu.dma_semaphore, #tpu.memory_space<semaphore_mem>> -> memref<!tpu.dma_semaphore, #tpu.memory_space<semaphore_mem>>
    %dma_start3A_379 = arith.constant 0 : i32
    %dma_start3A_380 = tpu.memref_slice %arg12[%add3A_373, %dma_start3A_379] : memref<81920x128xf32, #tpu.memory_space<hbm>> -> memref<128x128xf32, #tpu.memory_space<hbm>>
    tpu.enqueue_dma source(%arg18 : memref<128x128xf32, #tpu.memory_space<vmem>>) target(%dma_start3A_380 : memref<128x128xf32, #tpu.memory_space<hbm>>) target_semaphore(%dma_start3A_378 : memref<!tpu.dma_semaphore, #tpu.memory_space<semaphore_mem>>)
    %dma_wait3A_381 = arith.constant 2 : i32
    %dma_wait3A_382 = arith.constant 0 : i32
    %dma_wait3A_383 = tpu.memref_slice %arg12[%add3A_292, %dma_wait3A_382] : memref<81920x128xf32, #tpu.memory_space<hbm>> -> memref<128x128xf32, #tpu.memory_space<hbm>>
    %dma_wait3A_384 = tpu.memref_slice %arg28[%dma_wait3A_381] : memref<4x!tpu.dma_semaphore, #tpu.memory_space<semaphore_mem>> -> memref<1x!tpu.dma_semaphore, #tpu.memory_space<semaphore_mem>>
    %dma_wait3A_385 = tpu.memref_squeeze %dma_wait3A_384 : memref<1x!tpu.dma_semaphore, #tpu.memory_space<semaphore_mem>> -> memref<!tpu.dma_semaphore, #tpu.memory_space<semaphore_mem>>
    %dma_wait3A_386 = arith.constant 0 : i32
    %dma_wait3A_387 = tpu.memref_slice %arg12[%add3A_292, %dma_wait3A_386] : memref<81920x128xf32, #tpu.memory_space<hbm>> -> memref<128x128xf32, #tpu.memory_space<hbm>>
    tpu.wait_dma2 semaphore(%dma_wait3A_385 : memref<!tpu.dma_semaphore, #tpu.memory_space<semaphore_mem>>) src(%arg20 : memref<128x128xf32, #tpu.memory_space<vmem>>) dst(%dma_wait3A_387 : memref<128x128xf32, #tpu.memory_space<hbm>>)
    %dma_start3A_388 = arith.constant 2 : i32
    %dma_start3A_389 = arith.constant 2 : i32
    %dma_start3A_390 = arith.constant 0 : i32
    %dma_start3A_391 = tpu.memref_slice %arg14[%dma_start3A_388, %dma_start3A_390] : memref<4x128xi32, #tpu.memory_space<vmem>> -> memref<1x128xi32, #tpu.memory_space<vmem>>
    %dma_start3A_392 = tpu.memref_squeeze %dma_start3A_391 : memref<1x128xi32, #tpu.memory_space<vmem>> -> memref<128xi32, #tpu.memory_space<vmem>>
    %dma_start3A_393 = arith.constant 0 : i32
    %dma_start3A_394 = arith.constant 0 : i32
    %dma_start3A_395 = tpu.memref_slice %arg22[%dma_start3A_393, %dma_start3A_394] : memref<1000x128xf32, #tpu.memory_space<vmem_shared>> -> memref<1000x128xf32, #tpu.memory_space<vmem_shared>>
    %dma_start3A_396 = tpu.memref_slice %arg27[%dma_start3A_389] : memref<4x!tpu.dma_semaphore, #tpu.memory_space<semaphore_mem>> -> memref<1x!tpu.dma_semaphore, #tpu.memory_space<semaphore_mem>>
    %dma_start3A_397 = tpu.memref_squeeze %dma_start3A_396 : memref<1x!tpu.dma_semaphore, #tpu.memory_space<semaphore_mem>> -> memref<!tpu.dma_semaphore, #tpu.memory_space<semaphore_mem>>
    tpu.enqueue_indirect_dma source(%dma_start3A_395 : memref<1000x128xf32, #tpu.memory_space<vmem_shared>>) target(%arg20 : memref<128x128xf32, #tpu.memory_space<vmem>>) offsets(%dma_start3A_392 : memref<128xi32, #tpu.memory_space<vmem>>) semaphore(%dma_start3A_397 : memref<!tpu.dma_semaphore, #tpu.memory_space<semaphore_mem>>)
    %dma_wait3A_398 = arith.constant 1 : i32
    %dma_wait3A_399 = arith.constant 1 : i32
    %dma_wait3A_400 = arith.constant 0 : i32
    %dma_wait3A_401 = tpu.memref_slice %arg14[%dma_wait3A_398, %dma_wait3A_400] : memref<4x128xi32, #tpu.memory_space<vmem>> -> memref<1x128xi32, #tpu.memory_space<vmem>>
    %dma_wait3A_402 = tpu.memref_squeeze %dma_wait3A_401 : memref<1x128xi32, #tpu.memory_space<vmem>> -> memref<128xi32, #tpu.memory_space<vmem>>
    %dma_wait3A_403 = arith.constant 0 : i32
    %dma_wait3A_404 = arith.constant 0 : i32
    %dma_wait3A_405 = tpu.memref_slice %arg22[%dma_wait3A_403, %dma_wait3A_404] : memref<1000x128xf32, #tpu.memory_space<vmem_shared>> -> memref<1000x128xf32, #tpu.memory_space<vmem_shared>>
    %dma_wait3A_406 = tpu.memref_slice %arg27[%dma_wait3A_399] : memref<4x!tpu.dma_semaphore, #tpu.memory_space<semaphore_mem>> -> memref<1x!tpu.dma_semaphore, #tpu.memory_space<semaphore_mem>>
    %dma_wait3A_407 = tpu.memref_squeeze %dma_wait3A_406 : memref<1x!tpu.dma_semaphore, #tpu.memory_space<semaphore_mem>> -> memref<!tpu.dma_semaphore, #tpu.memory_space<semaphore_mem>>
    tpu.wait_indirect_dma semaphore(%dma_wait3A_407 : memref<!tpu.dma_semaphore, #tpu.memory_space<semaphore_mem>>) src(%dma_wait3A_405 : memref<1000x128xf32, #tpu.memory_space<vmem_shared>>) dst(%arg19 : memref<128x128xf32, #tpu.memory_space<vmem>>)
    %add3A_408 = arith.constant 16384 : i32
    %add3A_409 = arith.addi %add3A_408, %mul3A_2 : i32
    %add3A_410 = arith.constant 128 : i32
    %add3A_411 = arith.addi %add3A_409, %add3A_410 : i32
    %dma_start3A_412 = arith.constant 1 : i32
    %dma_start3A_413 = arith.constant 0 : i32
    %dma_start3A_414 = tpu.memref_slice %arg12[%add3A_411, %dma_start3A_413] : memref<81920x128xf32, #tpu.memory_space<hbm>> -> memref<128x128xf32, #tpu.memory_space<hbm>>
    %dma_start3A_415 = tpu.memref_slice %arg28[%dma_start3A_412] : memref<4x!tpu.dma_semaphore, #tpu.memory_space<semaphore_mem>> -> memref<1x!tpu.dma_semaphore, #tpu.memory_space<semaphore_mem>>
    %dma_start3A_416 = tpu.memref_squeeze %dma_start3A_415 : memref<1x!tpu.dma_semaphore, #tpu.memory_space<semaphore_mem>> -> memref<!tpu.dma_semaphore, #tpu.memory_space<semaphore_mem>>
    %dma_start3A_417 = arith.constant 0 : i32
    %dma_start3A_418 = tpu.memref_slice %arg12[%add3A_411, %dma_start3A_417] : memref<81920x128xf32, #tpu.memory_space<hbm>> -> memref<128x128xf32, #tpu.memory_space<hbm>>
    tpu.enqueue_dma source(%arg19 : memref<128x128xf32, #tpu.memory_space<vmem>>) target(%dma_start3A_418 : memref<128x128xf32, #tpu.memory_space<hbm>>) target_semaphore(%dma_start3A_416 : memref<!tpu.dma_semaphore, #tpu.memory_space<semaphore_mem>>)
    %dma_wait3A_419 = arith.constant 3 : i32
    %dma_wait3A_420 = arith.constant 0 : i32
    %dma_wait3A_421 = tpu.memref_slice %arg12[%add3A_335, %dma_wait3A_420] : memref<81920x128xf32, #tpu.memory_space<hbm>> -> memref<128x128xf32, #tpu.memory_space<hbm>>
    %dma_wait3A_422 = tpu.memref_slice %arg28[%dma_wait3A_419] : memref<4x!tpu.dma_semaphore, #tpu.memory_space<semaphore_mem>> -> memref<1x!tpu.dma_semaphore, #tpu.memory_space<semaphore_mem>>
    %dma_wait3A_423 = tpu.memref_squeeze %dma_wait3A_422 : memref<1x!tpu.dma_semaphore, #tpu.memory_space<semaphore_mem>> -> memref<!tpu.dma_semaphore, #tpu.memory_space<semaphore_mem>>
    %dma_wait3A_424 = arith.constant 0 : i32
    %dma_wait3A_425 = tpu.memref_slice %arg12[%add3A_335, %dma_wait3A_424] : memref<81920x128xf32, #tpu.memory_space<hbm>> -> memref<128x128xf32, #tpu.memory_space<hbm>>
    tpu.wait_dma2 semaphore(%dma_wait3A_423 : memref<!tpu.dma_semaphore, #tpu.memory_space<semaphore_mem>>) src(%arg21 : memref<128x128xf32, #tpu.memory_space<vmem>>) dst(%dma_wait3A_425 : memref<128x128xf32, #tpu.memory_space<hbm>>)
    %dma_start3A_426 = arith.constant 3 : i32
    %dma_start3A_427 = arith.constant 3 : i32
    %dma_start3A_428 = arith.constant 0 : i32
    %dma_start3A_429 = tpu.memref_slice %arg14[%dma_start3A_426, %dma_start3A_428] : memref<4x128xi32, #tpu.memory_space<vmem>> -> memref<1x128xi32, #tpu.memory_space<vmem>>
    %dma_start3A_430 = tpu.memref_squeeze %dma_start3A_429 : memref<1x128xi32, #tpu.memory_space<vmem>> -> memref<128xi32, #tpu.memory_space<vmem>>
    %dma_start3A_431 = arith.constant 0 : i32
    %dma_start3A_432 = arith.constant 0 : i32
    %dma_start3A_433 = tpu.memref_slice %arg22[%dma_start3A_431, %dma_start3A_432] : memref<1000x128xf32, #tpu.memory_space<vmem_shared>> -> memref<1000x128xf32, #tpu.memory_space<vmem_shared>>
    %dma_start3A_434 = tpu.memref_slice %arg27[%dma_start3A_427] : memref<4x!tpu.dma_semaphore, #tpu.memory_space<semaphore_mem>> -> memref<1x!tpu.dma_semaphore, #tpu.memory_space<semaphore_mem>>
    %dma_start3A_435 = tpu.memref_squeeze %dma_start3A_434 : memref<1x!tpu.dma_semaphore, #tpu.memory_space<semaphore_mem>> -> memref<!tpu.dma_semaphore, #tpu.memory_space<semaphore_mem>>
    tpu.enqueue_indirect_dma source(%dma_start3A_433 : memref<1000x128xf32, #tpu.memory_space<vmem_shared>>) target(%arg21 : memref<128x128xf32, #tpu.memory_space<vmem>>) offsets(%dma_start3A_430 : memref<128xi32, #tpu.memory_space<vmem>>) semaphore(%dma_start3A_435 : memref<!tpu.dma_semaphore, #tpu.memory_space<semaphore_mem>>)
    %dma_wait3A_436 = arith.constant 2 : i32
    %dma_wait3A_437 = arith.constant 2 : i32
    %dma_wait3A_438 = arith.constant 0 : i32
    %dma_wait3A_439 = tpu.memref_slice %arg14[%dma_wait3A_436, %dma_wait3A_438] : memref<4x128xi32, #tpu.memory_space<vmem>> -> memref<1x128xi32, #tpu.memory_space<vmem>>
    %dma_wait3A_440 = tpu.memref_squeeze %dma_wait3A_439 : memref<1x128xi32, #tpu.memory_space<vmem>> -> memref<128xi32, #tpu.memory_space<vmem>>
    %dma_wait3A_441 = arith.constant 0 : i32
    %dma_wait3A_442 = arith.constant 0 : i32
    %dma_wait3A_443 = tpu.memref_slice %arg22[%dma_wait3A_441, %dma_wait3A_442] : memref<1000x128xf32, #tpu.memory_space<vmem_shared>> -> memref<1000x128xf32, #tpu.memory_space<vmem_shared>>
    %dma_wait3A_444 = tpu.memref_slice %arg27[%dma_wait3A_437] : memref<4x!tpu.dma_semaphore, #tpu.memory_space<semaphore_mem>> -> memref<1x!tpu.dma_semaphore, #tpu.memory_space<semaphore_mem>>
    %dma_wait3A_445 = tpu.memref_squeeze %dma_wait3A_444 : memref<1x!tpu.dma_semaphore, #tpu.memory_space<semaphore_mem>> -> memref<!tpu.dma_semaphore, #tpu.memory_space<semaphore_mem>>
    tpu.wait_indirect_dma semaphore(%dma_wait3A_445 : memref<!tpu.dma_semaphore, #tpu.memory_space<semaphore_mem>>) src(%dma_wait3A_443 : memref<1000x128xf32, #tpu.memory_space<vmem_shared>>) dst(%arg20 : memref<128x128xf32, #tpu.memory_space<vmem>>)
    %add3A_446 = arith.constant 16384 : i32
    %add3A_447 = arith.addi %add3A_446, %mul3A_2 : i32
    %add3A_448 = arith.constant 256 : i32
    %add3A_449 = arith.addi %add3A_447, %add3A_448 : i32
    %dma_start3A_450 = arith.constant 2 : i32
    %dma_start3A_451 = arith.constant 0 : i32
    %dma_start3A_452 = tpu.memref_slice %arg12[%add3A_449, %dma_start3A_451] : memref<81920x128xf32, #tpu.memory_space<hbm>> -> memref<128x128xf32, #tpu.memory_space<hbm>>
    %dma_start3A_453 = tpu.memref_slice %arg28[%dma_start3A_450] : memref<4x!tpu.dma_semaphore, #tpu.memory_space<semaphore_mem>> -> memref<1x!tpu.dma_semaphore, #tpu.memory_space<semaphore_mem>>
    %dma_start3A_454 = tpu.memref_squeeze %dma_start3A_453 : memref<1x!tpu.dma_semaphore, #tpu.memory_space<semaphore_mem>> -> memref<!tpu.dma_semaphore, #tpu.memory_space<semaphore_mem>>
    %dma_start3A_455 = arith.constant 0 : i32
    %dma_start3A_456 = tpu.memref_slice %arg12[%add3A_449, %dma_start3A_455] : memref<81920x128xf32, #tpu.memory_space<hbm>> -> memref<128x128xf32, #tpu.memory_space<hbm>>
    tpu.enqueue_dma source(%arg20 : memref<128x128xf32, #tpu.memory_space<vmem>>) target(%dma_start3A_456 : memref<128x128xf32, #tpu.memory_space<hbm>>) target_semaphore(%dma_start3A_454 : memref<!tpu.dma_semaphore, #tpu.memory_space<semaphore_mem>>)
    %dma_wait3A_457 = arith.constant 0 : i32
    %dma_wait3A_458 = arith.constant 0 : i32
    %dma_wait3A_459 = tpu.memref_slice %arg12[%add3A_373, %dma_wait3A_458] : memref<81920x128xf32, #tpu.memory_space<hbm>> -> memref<128x128xf32, #tpu.memory_space<hbm>>
    %dma_wait3A_460 = tpu.memref_slice %arg28[%dma_wait3A_457] : memref<4x!tpu.dma_semaphore, #tpu.memory_space<semaphore_mem>> -> memref<1x!tpu.dma_semaphore, #tpu.memory_space<semaphore_mem>>
    %dma_wait3A_461 = tpu.memref_squeeze %dma_wait3A_460 : memref<1x!tpu.dma_semaphore, #tpu.memory_space<semaphore_mem>> -> memref<!tpu.dma_semaphore, #tpu.memory_space<semaphore_mem>>
    %dma_wait3A_462 = arith.constant 0 : i32
    %dma_wait3A_463 = tpu.memref_slice %arg12[%add3A_373, %dma_wait3A_462] : memref<81920x128xf32, #tpu.memory_space<hbm>> -> memref<128x128xf32, #tpu.memory_space<hbm>>
    tpu.wait_dma2 semaphore(%dma_wait3A_461 : memref<!tpu.dma_semaphore, #tpu.memory_space<semaphore_mem>>) src(%arg18 : memref<128x128xf32, #tpu.memory_space<vmem>>) dst(%dma_wait3A_463 : memref<128x128xf32, #tpu.memory_space<hbm>>)
    %dma_start3A_464 = arith.constant 0 : i32
    %dma_start3A_465 = arith.constant 0 : i32
    %dma_start3A_466 = arith.constant 0 : i32
    %dma_start3A_467 = tpu.memref_slice %arg15[%dma_start3A_464, %dma_start3A_466] : memref<4x128xi32, #tpu.memory_space<vmem>> -> memref<1x128xi32, #tpu.memory_space<vmem>>
    %dma_start3A_468 = tpu.memref_squeeze %dma_start3A_467 : memref<1x128xi32, #tpu.memory_space<vmem>> -> memref<128xi32, #tpu.memory_space<vmem>>
    %dma_start3A_469 = arith.constant 0 : i32
    %dma_start3A_470 = arith.constant 0 : i32
    %dma_start3A_471 = tpu.memref_slice %arg23[%dma_start3A_469, %dma_start3A_470] : memref<1000x128xf32, #tpu.memory_space<vmem_shared>> -> memref<1000x128xf32, #tpu.memory_space<vmem_shared>>
    %dma_start3A_472 = tpu.memref_slice %arg27[%dma_start3A_465] : memref<4x!tpu.dma_semaphore, #tpu.memory_space<semaphore_mem>> -> memref<1x!tpu.dma_semaphore, #tpu.memory_space<semaphore_mem>>
    %dma_start3A_473 = tpu.memref_squeeze %dma_start3A_472 : memref<1x!tpu.dma_semaphore, #tpu.memory_space<semaphore_mem>> -> memref<!tpu.dma_semaphore, #tpu.memory_space<semaphore_mem>>
    tpu.enqueue_indirect_dma source(%dma_start3A_471 : memref<1000x128xf32, #tpu.memory_space<vmem_shared>>) target(%arg18 : memref<128x128xf32, #tpu.memory_space<vmem>>) offsets(%dma_start3A_468 : memref<128xi32, #tpu.memory_space<vmem>>) semaphore(%dma_start3A_473 : memref<!tpu.dma_semaphore, #tpu.memory_space<semaphore_mem>>)
    %dma_wait3A_474 = arith.constant 3 : i32
    %dma_wait3A_475 = arith.constant 3 : i32
    %dma_wait3A_476 = arith.constant 0 : i32
    %dma_wait3A_477 = tpu.memref_slice %arg14[%dma_wait3A_474, %dma_wait3A_476] : memref<4x128xi32, #tpu.memory_space<vmem>> -> memref<1x128xi32, #tpu.memory_space<vmem>>
    %dma_wait3A_478 = tpu.memref_squeeze %dma_wait3A_477 : memref<1x128xi32, #tpu.memory_space<vmem>> -> memref<128xi32, #tpu.memory_space<vmem>>
    %dma_wait3A_479 = arith.constant 0 : i32
    %dma_wait3A_480 = arith.constant 0 : i32
    %dma_wait3A_481 = tpu.memref_slice %arg22[%dma_wait3A_479, %dma_wait3A_480] : memref<1000x128xf32, #tpu.memory_space<vmem_shared>> -> memref<1000x128xf32, #tpu.memory_space<vmem_shared>>
    %dma_wait3A_482 = tpu.memref_slice %arg27[%dma_wait3A_475] : memref<4x!tpu.dma_semaphore, #tpu.memory_space<semaphore_mem>> -> memref<1x!tpu.dma_semaphore, #tpu.memory_space<semaphore_mem>>
    %dma_wait3A_483 = tpu.memref_squeeze %dma_wait3A_482 : memref<1x!tpu.dma_semaphore, #tpu.memory_space<semaphore_mem>> -> memref<!tpu.dma_semaphore, #tpu.memory_space<semaphore_mem>>
    tpu.wait_indirect_dma semaphore(%dma_wait3A_483 : memref<!tpu.dma_semaphore, #tpu.memory_space<semaphore_mem>>) src(%dma_wait3A_481 : memref<1000x128xf32, #tpu.memory_space<vmem_shared>>) dst(%arg21 : memref<128x128xf32, #tpu.memory_space<vmem>>)
    %add3A_484 = arith.constant 16384 : i32
    %add3A_485 = arith.addi %add3A_484, %mul3A_2 : i32
    %add3A_486 = arith.constant 384 : i32
    %add3A_487 = arith.addi %add3A_485, %add3A_486 : i32
    %dma_start3A_488 = arith.constant 3 : i32
    %dma_start3A_489 = arith.constant 0 : i32
    %dma_start3A_490 = tpu.memref_slice %arg12[%add3A_487, %dma_start3A_489] : memref<81920x128xf32, #tpu.memory_space<hbm>> -> memref<128x128xf32, #tpu.memory_space<hbm>>
    %dma_start3A_491 = tpu.memref_slice %arg28[%dma_start3A_488] : memref<4x!tpu.dma_semaphore, #tpu.memory_space<semaphore_mem>> -> memref<1x!tpu.dma_semaphore, #tpu.memory_space<semaphore_mem>>
    %dma_start3A_492 = tpu.memref_squeeze %dma_start3A_491 : memref<1x!tpu.dma_semaphore, #tpu.memory_space<semaphore_mem>> -> memref<!tpu.dma_semaphore, #tpu.memory_space<semaphore_mem>>
    %dma_start3A_493 = arith.constant 0 : i32
    %dma_start3A_494 = tpu.memref_slice %arg12[%add3A_487, %dma_start3A_493] : memref<81920x128xf32, #tpu.memory_space<hbm>> -> memref<128x128xf32, #tpu.memory_space<hbm>>
    tpu.enqueue_dma source(%arg21 : memref<128x128xf32, #tpu.memory_space<vmem>>) target(%dma_start3A_494 : memref<128x128xf32, #tpu.memory_space<hbm>>) target_semaphore(%dma_start3A_492 : memref<!tpu.dma_semaphore, #tpu.memory_space<semaphore_mem>>)
    %dma_wait3A_495 = arith.constant 1 : i32
    %dma_wait3A_496 = arith.constant 0 : i32
    %dma_wait3A_497 = tpu.memref_slice %arg12[%add3A_411, %dma_wait3A_496] : memref<81920x128xf32, #tpu.memory_space<hbm>> -> memref<128x128xf32, #tpu.memory_space<hbm>>
    %dma_wait3A_498 = tpu.memref_slice %arg28[%dma_wait3A_495] : memref<4x!tpu.dma_semaphore, #tpu.memory_space<semaphore_mem>> -> memref<1x!tpu.dma_semaphore, #tpu.memory_space<semaphore_mem>>
    %dma_wait3A_499 = tpu.memref_squeeze %dma_wait3A_498 : memref<1x!tpu.dma_semaphore, #tpu.memory_space<semaphore_mem>> -> memref<!tpu.dma_semaphore, #tpu.memory_space<semaphore_mem>>
    %dma_wait3A_500 = arith.constant 0 : i32
    %dma_wait3A_501 = tpu.memref_slice %arg12[%add3A_411, %dma_wait3A_500] : memref<81920x128xf32, #tpu.memory_space<hbm>> -> memref<128x128xf32, #tpu.memory_space<hbm>>
    tpu.wait_dma2 semaphore(%dma_wait3A_499 : memref<!tpu.dma_semaphore, #tpu.memory_space<semaphore_mem>>) src(%arg19 : memref<128x128xf32, #tpu.memory_space<vmem>>) dst(%dma_wait3A_501 : memref<128x128xf32, #tpu.memory_space<hbm>>)
    %dma_start3A_502 = arith.constant 1 : i32
    %dma_start3A_503 = arith.constant 1 : i32
    %dma_start3A_504 = arith.constant 0 : i32
    %dma_start3A_505 = tpu.memref_slice %arg15[%dma_start3A_502, %dma_start3A_504] : memref<4x128xi32, #tpu.memory_space<vmem>> -> memref<1x128xi32, #tpu.memory_space<vmem>>
    %dma_start3A_506 = tpu.memref_squeeze %dma_start3A_505 : memref<1x128xi32, #tpu.memory_space<vmem>> -> memref<128xi32, #tpu.memory_space<vmem>>
    %dma_start3A_507 = arith.constant 0 : i32
    %dma_start3A_508 = arith.constant 0 : i32
    %dma_start3A_509 = tpu.memref_slice %arg23[%dma_start3A_507, %dma_start3A_508] : memref<1000x128xf32, #tpu.memory_space<vmem_shared>> -> memref<1000x128xf32, #tpu.memory_space<vmem_shared>>
    %dma_start3A_510 = tpu.memref_slice %arg27[%dma_start3A_503] : memref<4x!tpu.dma_semaphore, #tpu.memory_space<semaphore_mem>> -> memref<1x!tpu.dma_semaphore, #tpu.memory_space<semaphore_mem>>
    %dma_start3A_511 = tpu.memref_squeeze %dma_start3A_510 : memref<1x!tpu.dma_semaphore, #tpu.memory_space<semaphore_mem>> -> memref<!tpu.dma_semaphore, #tpu.memory_space<semaphore_mem>>
    tpu.enqueue_indirect_dma source(%dma_start3A_509 : memref<1000x128xf32, #tpu.memory_space<vmem_shared>>) target(%arg19 : memref<128x128xf32, #tpu.memory_space<vmem>>) offsets(%dma_start3A_506 : memref<128xi32, #tpu.memory_space<vmem>>) semaphore(%dma_start3A_511 : memref<!tpu.dma_semaphore, #tpu.memory_space<semaphore_mem>>)
    %dma_wait3A_512 = arith.constant 0 : i32
    %dma_wait3A_513 = arith.constant 0 : i32
    %dma_wait3A_514 = arith.constant 0 : i32
    %dma_wait3A_515 = tpu.memref_slice %arg15[%dma_wait3A_512, %dma_wait3A_514] : memref<4x128xi32, #tpu.memory_space<vmem>> -> memref<1x128xi32, #tpu.memory_space<vmem>>
    %dma_wait3A_516 = tpu.memref_squeeze %dma_wait3A_515 : memref<1x128xi32, #tpu.memory_space<vmem>> -> memref<128xi32, #tpu.memory_space<vmem>>
    %dma_wait3A_517 = arith.constant 0 : i32
    %dma_wait3A_518 = arith.constant 0 : i32
    %dma_wait3A_519 = tpu.memref_slice %arg23[%dma_wait3A_517, %dma_wait3A_518] : memref<1000x128xf32, #tpu.memory_space<vmem_shared>> -> memref<1000x128xf32, #tpu.memory_space<vmem_shared>>
    %dma_wait3A_520 = tpu.memref_slice %arg27[%dma_wait3A_513] : memref<4x!tpu.dma_semaphore, #tpu.memory_space<semaphore_mem>> -> memref<1x!tpu.dma_semaphore, #tpu.memory_space<semaphore_mem>>
    %dma_wait3A_521 = tpu.memref_squeeze %dma_wait3A_520 : memref<1x!tpu.dma_semaphore, #tpu.memory_space<semaphore_mem>> -> memref<!tpu.dma_semaphore, #tpu.memory_space<semaphore_mem>>
    tpu.wait_indirect_dma semaphore(%dma_wait3A_521 : memref<!tpu.dma_semaphore, #tpu.memory_space<semaphore_mem>>) src(%dma_wait3A_519 : memref<1000x128xf32, #tpu.memory_space<vmem_shared>>) dst(%arg18 : memref<128x128xf32, #tpu.memory_space<vmem>>)
    %add3A_522 = arith.constant 32768 : i32
    %add3A_523 = arith.addi %add3A_522, %mul3A_2 : i32
    %add3A_524 = arith.constant 0 : i32
    %add3A_525 = arith.addi %add3A_523, %add3A_524 : i32
    %dma_start3A_526 = arith.constant 0 : i32
    %dma_start3A_527 = arith.constant 0 : i32
    %dma_start3A_528 = tpu.memref_slice %arg12[%add3A_525, %dma_start3A_527] : memref<81920x128xf32, #tpu.memory_space<hbm>> -> memref<128x128xf32, #tpu.memory_space<hbm>>
    %dma_start3A_529 = tpu.memref_slice %arg28[%dma_start3A_526] : memref<4x!tpu.dma_semaphore, #tpu.memory_space<semaphore_mem>> -> memref<1x!tpu.dma_semaphore, #tpu.memory_space<semaphore_mem>>
    %dma_start3A_530 = tpu.memref_squeeze %dma_start3A_529 : memref<1x!tpu.dma_semaphore, #tpu.memory_space<semaphore_mem>> -> memref<!tpu.dma_semaphore, #tpu.memory_space<semaphore_mem>>
    %dma_start3A_531 = arith.constant 0 : i32
    %dma_start3A_532 = tpu.memref_slice %arg12[%add3A_525, %dma_start3A_531] : memref<81920x128xf32, #tpu.memory_space<hbm>> -> memref<128x128xf32, #tpu.memory_space<hbm>>
    tpu.enqueue_dma source(%arg18 : memref<128x128xf32, #tpu.memory_space<vmem>>) target(%dma_start3A_532 : memref<128x128xf32, #tpu.memory_space<hbm>>) target_semaphore(%dma_start3A_530 : memref<!tpu.dma_semaphore, #tpu.memory_space<semaphore_mem>>)
    %dma_wait3A_533 = arith.constant 2 : i32
    %dma_wait3A_534 = arith.constant 0 : i32
    %dma_wait3A_535 = tpu.memref_slice %arg12[%add3A_449, %dma_wait3A_534] : memref<81920x128xf32, #tpu.memory_space<hbm>> -> memref<128x128xf32, #tpu.memory_space<hbm>>
    %dma_wait3A_536 = tpu.memref_slice %arg28[%dma_wait3A_533] : memref<4x!tpu.dma_semaphore, #tpu.memory_space<semaphore_mem>> -> memref<1x!tpu.dma_semaphore, #tpu.memory_space<semaphore_mem>>
    %dma_wait3A_537 = tpu.memref_squeeze %dma_wait3A_536 : memref<1x!tpu.dma_semaphore, #tpu.memory_space<semaphore_mem>> -> memref<!tpu.dma_semaphore, #tpu.memory_space<semaphore_mem>>
    %dma_wait3A_538 = arith.constant 0 : i32
    %dma_wait3A_539 = tpu.memref_slice %arg12[%add3A_449, %dma_wait3A_538] : memref<81920x128xf32, #tpu.memory_space<hbm>> -> memref<128x128xf32, #tpu.memory_space<hbm>>
    tpu.wait_dma2 semaphore(%dma_wait3A_537 : memref<!tpu.dma_semaphore, #tpu.memory_space<semaphore_mem>>) src(%arg20 : memref<128x128xf32, #tpu.memory_space<vmem>>) dst(%dma_wait3A_539 : memref<128x128xf32, #tpu.memory_space<hbm>>)
    %dma_start3A_540 = arith.constant 2 : i32
    %dma_start3A_541 = arith.constant 2 : i32
    %dma_start3A_542 = arith.constant 0 : i32
    %dma_start3A_543 = tpu.memref_slice %arg15[%dma_start3A_540, %dma_start3A_542] : memref<4x128xi32, #tpu.memory_space<vmem>> -> memref<1x128xi32, #tpu.memory_space<vmem>>
    %dma_start3A_544 = tpu.memref_squeeze %dma_start3A_543 : memref<1x128xi32, #tpu.memory_space<vmem>> -> memref<128xi32, #tpu.memory_space<vmem>>
    %dma_start3A_545 = arith.constant 0 : i32
    %dma_start3A_546 = arith.constant 0 : i32
    %dma_start3A_547 = tpu.memref_slice %arg23[%dma_start3A_545, %dma_start3A_546] : memref<1000x128xf32, #tpu.memory_space<vmem_shared>> -> memref<1000x128xf32, #tpu.memory_space<vmem_shared>>
    %dma_start3A_548 = tpu.memref_slice %arg27[%dma_start3A_541] : memref<4x!tpu.dma_semaphore, #tpu.memory_space<semaphore_mem>> -> memref<1x!tpu.dma_semaphore, #tpu.memory_space<semaphore_mem>>
    %dma_start3A_549 = tpu.memref_squeeze %dma_start3A_548 : memref<1x!tpu.dma_semaphore, #tpu.memory_space<semaphore_mem>> -> memref<!tpu.dma_semaphore, #tpu.memory_space<semaphore_mem>>
    tpu.enqueue_indirect_dma source(%dma_start3A_547 : memref<1000x128xf32, #tpu.memory_space<vmem_shared>>) target(%arg20 : memref<128x128xf32, #tpu.memory_space<vmem>>) offsets(%dma_start3A_544 : memref<128xi32, #tpu.memory_space<vmem>>) semaphore(%dma_start3A_549 : memref<!tpu.dma_semaphore, #tpu.memory_space<semaphore_mem>>)
    %dma_wait3A_550 = arith.constant 1 : i32
    %dma_wait3A_551 = arith.constant 1 : i32
    %dma_wait3A_552 = arith.constant 0 : i32
    %dma_wait3A_553 = tpu.memref_slice %arg15[%dma_wait3A_550, %dma_wait3A_552] : memref<4x128xi32, #tpu.memory_space<vmem>> -> memref<1x128xi32, #tpu.memory_space<vmem>>
    %dma_wait3A_554 = tpu.memref_squeeze %dma_wait3A_553 : memref<1x128xi32, #tpu.memory_space<vmem>> -> memref<128xi32, #tpu.memory_space<vmem>>
    %dma_wait3A_555 = arith.constant 0 : i32
    %dma_wait3A_556 = arith.constant 0 : i32
    %dma_wait3A_557 = tpu.memref_slice %arg23[%dma_wait3A_555, %dma_wait3A_556] : memref<1000x128xf32, #tpu.memory_space<vmem_shared>> -> memref<1000x128xf32, #tpu.memory_space<vmem_shared>>
    %dma_wait3A_558 = tpu.memref_slice %arg27[%dma_wait3A_551] : memref<4x!tpu.dma_semaphore, #tpu.memory_space<semaphore_mem>> -> memref<1x!tpu.dma_semaphore, #tpu.memory_space<semaphore_mem>>
    %dma_wait3A_559 = tpu.memref_squeeze %dma_wait3A_558 : memref<1x!tpu.dma_semaphore, #tpu.memory_space<semaphore_mem>> -> memref<!tpu.dma_semaphore, #tpu.memory_space<semaphore_mem>>
    tpu.wait_indirect_dma semaphore(%dma_wait3A_559 : memref<!tpu.dma_semaphore, #tpu.memory_space<semaphore_mem>>) src(%dma_wait3A_557 : memref<1000x128xf32, #tpu.memory_space<vmem_shared>>) dst(%arg19 : memref<128x128xf32, #tpu.memory_space<vmem>>)
    %add3A_560 = arith.constant 32768 : i32
    %add3A_561 = arith.addi %add3A_560, %mul3A_2 : i32
    %add3A_562 = arith.constant 128 : i32
    %add3A_563 = arith.addi %add3A_561, %add3A_562 : i32
    %dma_start3A_564 = arith.constant 1 : i32
    %dma_start3A_565 = arith.constant 0 : i32
    %dma_start3A_566 = tpu.memref_slice %arg12[%add3A_563, %dma_start3A_565] : memref<81920x128xf32, #tpu.memory_space<hbm>> -> memref<128x128xf32, #tpu.memory_space<hbm>>
    %dma_start3A_567 = tpu.memref_slice %arg28[%dma_start3A_564] : memref<4x!tpu.dma_semaphore, #tpu.memory_space<semaphore_mem>> -> memref<1x!tpu.dma_semaphore, #tpu.memory_space<semaphore_mem>>
    %dma_start3A_568 = tpu.memref_squeeze %dma_start3A_567 : memref<1x!tpu.dma_semaphore, #tpu.memory_space<semaphore_mem>> -> memref<!tpu.dma_semaphore, #tpu.memory_space<semaphore_mem>>
    %dma_start3A_569 = arith.constant 0 : i32
    %dma_start3A_570 = tpu.memref_slice %arg12[%add3A_563, %dma_start3A_569] : memref<81920x128xf32, #tpu.memory_space<hbm>> -> memref<128x128xf32, #tpu.memory_space<hbm>>
    tpu.enqueue_dma source(%arg19 : memref<128x128xf32, #tpu.memory_space<vmem>>) target(%dma_start3A_570 : memref<128x128xf32, #tpu.memory_space<hbm>>) target_semaphore(%dma_start3A_568 : memref<!tpu.dma_semaphore, #tpu.memory_space<semaphore_mem>>)
    %dma_wait3A_571 = arith.constant 3 : i32
    %dma_wait3A_572 = arith.constant 0 : i32
    %dma_wait3A_573 = tpu.memref_slice %arg12[%add3A_487, %dma_wait3A_572] : memref<81920x128xf32, #tpu.memory_space<hbm>> -> memref<128x128xf32, #tpu.memory_space<hbm>>
    %dma_wait3A_574 = tpu.memref_slice %arg28[%dma_wait3A_571] : memref<4x!tpu.dma_semaphore, #tpu.memory_space<semaphore_mem>> -> memref<1x!tpu.dma_semaphore, #tpu.memory_space<semaphore_mem>>
    %dma_wait3A_575 = tpu.memref_squeeze %dma_wait3A_574 : memref<1x!tpu.dma_semaphore, #tpu.memory_space<semaphore_mem>> -> memref<!tpu.dma_semaphore, #tpu.memory_space<semaphore_mem>>
    %dma_wait3A_576 = arith.constant 0 : i32
    %dma_wait3A_577 = tpu.memref_slice %arg12[%add3A_487, %dma_wait3A_576] : memref<81920x128xf32, #tpu.memory_space<hbm>> -> memref<128x128xf32, #tpu.memory_space<hbm>>
    tpu.wait_dma2 semaphore(%dma_wait3A_575 : memref<!tpu.dma_semaphore, #tpu.memory_space<semaphore_mem>>) src(%arg21 : memref<128x128xf32, #tpu.memory_space<vmem>>) dst(%dma_wait3A_577 : memref<128x128xf32, #tpu.memory_space<hbm>>)
    %dma_start3A_578 = arith.constant 3 : i32
    %dma_start3A_579 = arith.constant 3 : i32
    %dma_start3A_580 = arith.constant 0 : i32
    %dma_start3A_581 = tpu.memref_slice %arg15[%dma_start3A_578, %dma_start3A_580] : memref<4x128xi32, #tpu.memory_space<vmem>> -> memref<1x128xi32, #tpu.memory_space<vmem>>
    %dma_start3A_582 = tpu.memref_squeeze %dma_start3A_581 : memref<1x128xi32, #tpu.memory_space<vmem>> -> memref<128xi32, #tpu.memory_space<vmem>>
    %dma_start3A_583 = arith.constant 0 : i32
    %dma_start3A_584 = arith.constant 0 : i32
    %dma_start3A_585 = tpu.memref_slice %arg23[%dma_start3A_583, %dma_start3A_584] : memref<1000x128xf32, #tpu.memory_space<vmem_shared>> -> memref<1000x128xf32, #tpu.memory_space<vmem_shared>>
    %dma_start3A_586 = tpu.memref_slice %arg27[%dma_start3A_579] : memref<4x!tpu.dma_semaphore, #tpu.memory_space<semaphore_mem>> -> memref<1x!tpu.dma_semaphore, #tpu.memory_space<semaphore_mem>>
    %dma_start3A_587 = tpu.memref_squeeze %dma_start3A_586 : memref<1x!tpu.dma_semaphore, #tpu.memory_space<semaphore_mem>> -> memref<!tpu.dma_semaphore, #tpu.memory_space<semaphore_mem>>
    tpu.enqueue_indirect_dma source(%dma_start3A_585 : memref<1000x128xf32, #tpu.memory_space<vmem_shared>>) target(%arg21 : memref<128x128xf32, #tpu.memory_space<vmem>>) offsets(%dma_start3A_582 : memref<128xi32, #tpu.memory_space<vmem>>) semaphore(%dma_start3A_587 : memref<!tpu.dma_semaphore, #tpu.memory_space<semaphore_mem>>)
    %dma_wait3A_588 = arith.constant 2 : i32
    %dma_wait3A_589 = arith.constant 2 : i32
    %dma_wait3A_590 = arith.constant 0 : i32
    %dma_wait3A_591 = tpu.memref_slice %arg15[%dma_wait3A_588, %dma_wait3A_590] : memref<4x128xi32, #tpu.memory_space<vmem>> -> memref<1x128xi32, #tpu.memory_space<vmem>>
    %dma_wait3A_592 = tpu.memref_squeeze %dma_wait3A_591 : memref<1x128xi32, #tpu.memory_space<vmem>> -> memref<128xi32, #tpu.memory_space<vmem>>
    %dma_wait3A_593 = arith.constant 0 : i32
    %dma_wait3A_594 = arith.constant 0 : i32
    %dma_wait3A_595 = tpu.memref_slice %arg23[%dma_wait3A_593, %dma_wait3A_594] : memref<1000x128xf32, #tpu.memory_space<vmem_shared>> -> memref<1000x128xf32, #tpu.memory_space<vmem_shared>>
    %dma_wait3A_596 = tpu.memref_slice %arg27[%dma_wait3A_589] : memref<4x!tpu.dma_semaphore, #tpu.memory_space<semaphore_mem>> -> memref<1x!tpu.dma_semaphore, #tpu.memory_space<semaphore_mem>>
    %dma_wait3A_597 = tpu.memref_squeeze %dma_wait3A_596 : memref<1x!tpu.dma_semaphore, #tpu.memory_space<semaphore_mem>> -> memref<!tpu.dma_semaphore, #tpu.memory_space<semaphore_mem>>
    tpu.wait_indirect_dma semaphore(%dma_wait3A_597 : memref<!tpu.dma_semaphore, #tpu.memory_space<semaphore_mem>>) src(%dma_wait3A_595 : memref<1000x128xf32, #tpu.memory_space<vmem_shared>>) dst(%arg20 : memref<128x128xf32, #tpu.memory_space<vmem>>)
    %add3A_598 = arith.constant 32768 : i32
    %add3A_599 = arith.addi %add3A_598, %mul3A_2 : i32
    %add3A_600 = arith.constant 256 : i32
    %add3A_601 = arith.addi %add3A_599, %add3A_600 : i32
    %dma_start3A_602 = arith.constant 2 : i32
    %dma_start3A_603 = arith.constant 0 : i32
    %dma_start3A_604 = tpu.memref_slice %arg12[%add3A_601, %dma_start3A_603] : memref<81920x128xf32, #tpu.memory_space<hbm>> -> memref<128x128xf32, #tpu.memory_space<hbm>>
    %dma_start3A_605 = tpu.memref_slice %arg28[%dma_start3A_602] : memref<4x!tpu.dma_semaphore, #tpu.memory_space<semaphore_mem>> -> memref<1x!tpu.dma_semaphore, #tpu.memory_space<semaphore_mem>>
    %dma_start3A_606 = tpu.memref_squeeze %dma_start3A_605 : memref<1x!tpu.dma_semaphore, #tpu.memory_space<semaphore_mem>> -> memref<!tpu.dma_semaphore, #tpu.memory_space<semaphore_mem>>
    %dma_start3A_607 = arith.constant 0 : i32
    %dma_start3A_608 = tpu.memref_slice %arg12[%add3A_601, %dma_start3A_607] : memref<81920x128xf32, #tpu.memory_space<hbm>> -> memref<128x128xf32, #tpu.memory_space<hbm>>
    tpu.enqueue_dma source(%arg20 : memref<128x128xf32, #tpu.memory_space<vmem>>) target(%dma_start3A_608 : memref<128x128xf32, #tpu.memory_space<hbm>>) target_semaphore(%dma_start3A_606 : memref<!tpu.dma_semaphore, #tpu.memory_space<semaphore_mem>>)
    %dma_wait3A_609 = arith.constant 0 : i32
    %dma_wait3A_610 = arith.constant 0 : i32
    %dma_wait3A_611 = tpu.memref_slice %arg12[%add3A_525, %dma_wait3A_610] : memref<81920x128xf32, #tpu.memory_space<hbm>> -> memref<128x128xf32, #tpu.memory_space<hbm>>
    %dma_wait3A_612 = tpu.memref_slice %arg28[%dma_wait3A_609] : memref<4x!tpu.dma_semaphore, #tpu.memory_space<semaphore_mem>> -> memref<1x!tpu.dma_semaphore, #tpu.memory_space<semaphore_mem>>
    %dma_wait3A_613 = tpu.memref_squeeze %dma_wait3A_612 : memref<1x!tpu.dma_semaphore, #tpu.memory_space<semaphore_mem>> -> memref<!tpu.dma_semaphore, #tpu.memory_space<semaphore_mem>>
    %dma_wait3A_614 = arith.constant 0 : i32
    %dma_wait3A_615 = tpu.memref_slice %arg12[%add3A_525, %dma_wait3A_614] : memref<81920x128xf32, #tpu.memory_space<hbm>> -> memref<128x128xf32, #tpu.memory_space<hbm>>
    tpu.wait_dma2 semaphore(%dma_wait3A_613 : memref<!tpu.dma_semaphore, #tpu.memory_space<semaphore_mem>>) src(%arg18 : memref<128x128xf32, #tpu.memory_space<vmem>>) dst(%dma_wait3A_615 : memref<128x128xf32, #tpu.memory_space<hbm>>)
    %dma_start3A_616 = arith.constant 0 : i32
    %dma_start3A_617 = arith.constant 0 : i32
    %dma_start3A_618 = arith.constant 0 : i32
    %dma_start3A_619 = tpu.memref_slice %arg17[%dma_start3A_616, %dma_start3A_618] : memref<4x128xi32, #tpu.memory_space<vmem>> -> memref<1x128xi32, #tpu.memory_space<vmem>>
    %dma_start3A_620 = tpu.memref_squeeze %dma_start3A_619 : memref<1x128xi32, #tpu.memory_space<vmem>> -> memref<128xi32, #tpu.memory_space<vmem>>
    %dma_start3A_621 = arith.constant 0 : i32
    %dma_start3A_622 = arith.constant 0 : i32
    %dma_start3A_623 = tpu.memref_slice %arg24[%dma_start3A_621, %dma_start3A_622] : memref<1000x128xf32, #tpu.memory_space<vmem_shared>> -> memref<1000x128xf32, #tpu.memory_space<vmem_shared>>
    %dma_start3A_624 = tpu.memref_slice %arg27[%dma_start3A_617] : memref<4x!tpu.dma_semaphore, #tpu.memory_space<semaphore_mem>> -> memref<1x!tpu.dma_semaphore, #tpu.memory_space<semaphore_mem>>
    %dma_start3A_625 = tpu.memref_squeeze %dma_start3A_624 : memref<1x!tpu.dma_semaphore, #tpu.memory_space<semaphore_mem>> -> memref<!tpu.dma_semaphore, #tpu.memory_space<semaphore_mem>>
    tpu.enqueue_indirect_dma source(%dma_start3A_623 : memref<1000x128xf32, #tpu.memory_space<vmem_shared>>) target(%arg18 : memref<128x128xf32, #tpu.memory_space<vmem>>) offsets(%dma_start3A_620 : memref<128xi32, #tpu.memory_space<vmem>>) semaphore(%dma_start3A_625 : memref<!tpu.dma_semaphore, #tpu.memory_space<semaphore_mem>>)
    %dma_wait3A_626 = arith.constant 3 : i32
    %dma_wait3A_627 = arith.constant 3 : i32
    %dma_wait3A_628 = arith.constant 0 : i32
    %dma_wait3A_629 = tpu.memref_slice %arg15[%dma_wait3A_626, %dma_wait3A_628] : memref<4x128xi32, #tpu.memory_space<vmem>> -> memref<1x128xi32, #tpu.memory_space<vmem>>
    %dma_wait3A_630 = tpu.memref_squeeze %dma_wait3A_629 : memref<1x128xi32, #tpu.memory_space<vmem>> -> memref<128xi32, #tpu.memory_space<vmem>>
    %dma_wait3A_631 = arith.constant 0 : i32
    %dma_wait3A_632 = arith.constant 0 : i32
    %dma_wait3A_633 = tpu.memref_slice %arg23[%dma_wait3A_631, %dma_wait3A_632] : memref<1000x128xf32, #tpu.memory_space<vmem_shared>> -> memref<1000x128xf32, #tpu.memory_space<vmem_shared>>
    %dma_wait3A_634 = tpu.memref_slice %arg27[%dma_wait3A_627] : memref<4x!tpu.dma_semaphore, #tpu.memory_space<semaphore_mem>> -> memref<1x!tpu.dma_semaphore, #tpu.memory_space<semaphore_mem>>
    %dma_wait3A_635 = tpu.memref_squeeze %dma_wait3A_634 : memref<1x!tpu.dma_semaphore, #tpu.memory_space<semaphore_mem>> -> memref<!tpu.dma_semaphore, #tpu.memory_space<semaphore_mem>>
    tpu.wait_indirect_dma semaphore(%dma_wait3A_635 : memref<!tpu.dma_semaphore, #tpu.memory_space<semaphore_mem>>) src(%dma_wait3A_633 : memref<1000x128xf32, #tpu.memory_space<vmem_shared>>) dst(%arg21 : memref<128x128xf32, #tpu.memory_space<vmem>>)
    %add3A_636 = arith.constant 32768 : i32
    %add3A_637 = arith.addi %add3A_636, %mul3A_2 : i32
    %add3A_638 = arith.constant 384 : i32
    %add3A_639 = arith.addi %add3A_637, %add3A_638 : i32
    %dma_start3A_640 = arith.constant 3 : i32
    %dma_start3A_641 = arith.constant 0 : i32
    %dma_start3A_642 = tpu.memref_slice %arg12[%add3A_639, %dma_start3A_641] : memref<81920x128xf32, #tpu.memory_space<hbm>> -> memref<128x128xf32, #tpu.memory_space<hbm>>
    %dma_start3A_643 = tpu.memref_slice %arg28[%dma_start3A_640] : memref<4x!tpu.dma_semaphore, #tpu.memory_space<semaphore_mem>> -> memref<1x!tpu.dma_semaphore, #tpu.memory_space<semaphore_mem>>
    %dma_start3A_644 = tpu.memref_squeeze %dma_start3A_643 : memref<1x!tpu.dma_semaphore, #tpu.memory_space<semaphore_mem>> -> memref<!tpu.dma_semaphore, #tpu.memory_space<semaphore_mem>>
    %dma_start3A_645 = arith.constant 0 : i32
    %dma_start3A_646 = tpu.memref_slice %arg12[%add3A_639, %dma_start3A_645] : memref<81920x128xf32, #tpu.memory_space<hbm>> -> memref<128x128xf32, #tpu.memory_space<hbm>>
    tpu.enqueue_dma source(%arg21 : memref<128x128xf32, #tpu.memory_space<vmem>>) target(%dma_start3A_646 : memref<128x128xf32, #tpu.memory_space<hbm>>) target_semaphore(%dma_start3A_644 : memref<!tpu.dma_semaphore, #tpu.memory_space<semaphore_mem>>)
    %dma_wait3A_647 = arith.constant 1 : i32
    %dma_wait3A_648 = arith.constant 0 : i32
    %dma_wait3A_649 = tpu.memref_slice %arg12[%add3A_563, %dma_wait3A_648] : memref<81920x128xf32, #tpu.memory_space<hbm>> -> memref<128x128xf32, #tpu.memory_space<hbm>>
    %dma_wait3A_650 = tpu.memref_slice %arg28[%dma_wait3A_647] : memref<4x!tpu.dma_semaphore, #tpu.memory_space<semaphore_mem>> -> memref<1x!tpu.dma_semaphore, #tpu.memory_space<semaphore_mem>>
    %dma_wait3A_651 = tpu.memref_squeeze %dma_wait3A_650 : memref<1x!tpu.dma_semaphore, #tpu.memory_space<semaphore_mem>> -> memref<!tpu.dma_semaphore, #tpu.memory_space<semaphore_mem>>
    %dma_wait3A_652 = arith.constant 0 : i32
    %dma_wait3A_653 = tpu.memref_slice %arg12[%add3A_563, %dma_wait3A_652] : memref<81920x128xf32, #tpu.memory_space<hbm>> -> memref<128x128xf32, #tpu.memory_space<hbm>>
    tpu.wait_dma2 semaphore(%dma_wait3A_651 : memref<!tpu.dma_semaphore, #tpu.memory_space<semaphore_mem>>) src(%arg19 : memref<128x128xf32, #tpu.memory_space<vmem>>) dst(%dma_wait3A_653 : memref<128x128xf32, #tpu.memory_space<hbm>>)
    %dma_start3A_654 = arith.constant 1 : i32
    %dma_start3A_655 = arith.constant 1 : i32
    %dma_start3A_656 = arith.constant 0 : i32
    %dma_start3A_657 = tpu.memref_slice %arg17[%dma_start3A_654, %dma_start3A_656] : memref<4x128xi32, #tpu.memory_space<vmem>> -> memref<1x128xi32, #tpu.memory_space<vmem>>
    %dma_start3A_658 = tpu.memref_squeeze %dma_start3A_657 : memref<1x128xi32, #tpu.memory_space<vmem>> -> memref<128xi32, #tpu.memory_space<vmem>>
    %dma_start3A_659 = arith.constant 0 : i32
    %dma_start3A_660 = arith.constant 0 : i32
    %dma_start3A_661 = tpu.memref_slice %arg24[%dma_start3A_659, %dma_start3A_660] : memref<1000x128xf32, #tpu.memory_space<vmem_shared>> -> memref<1000x128xf32, #tpu.memory_space<vmem_shared>>
    %dma_start3A_662 = tpu.memref_slice %arg27[%dma_start3A_655] : memref<4x!tpu.dma_semaphore, #tpu.memory_space<semaphore_mem>> -> memref<1x!tpu.dma_semaphore, #tpu.memory_space<semaphore_mem>>
    %dma_start3A_663 = tpu.memref_squeeze %dma_start3A_662 : memref<1x!tpu.dma_semaphore, #tpu.memory_space<semaphore_mem>> -> memref<!tpu.dma_semaphore, #tpu.memory_space<semaphore_mem>>
    tpu.enqueue_indirect_dma source(%dma_start3A_661 : memref<1000x128xf32, #tpu.memory_space<vmem_shared>>) target(%arg19 : memref<128x128xf32, #tpu.memory_space<vmem>>) offsets(%dma_start3A_658 : memref<128xi32, #tpu.memory_space<vmem>>) semaphore(%dma_start3A_663 : memref<!tpu.dma_semaphore, #tpu.memory_space<semaphore_mem>>)
    %dma_wait3A_664 = arith.constant 0 : i32
    %dma_wait3A_665 = arith.constant 0 : i32
    %dma_wait3A_666 = arith.constant 0 : i32
    %dma_wait3A_667 = tpu.memref_slice %arg17[%dma_wait3A_664, %dma_wait3A_666] : memref<4x128xi32, #tpu.memory_space<vmem>> -> memref<1x128xi32, #tpu.memory_space<vmem>>
    %dma_wait3A_668 = tpu.memref_squeeze %dma_wait3A_667 : memref<1x128xi32, #tpu.memory_space<vmem>> -> memref<128xi32, #tpu.memory_space<vmem>>
    %dma_wait3A_669 = arith.constant 0 : i32
    %dma_wait3A_670 = arith.constant 0 : i32
    %dma_wait3A_671 = tpu.memref_slice %arg24[%dma_wait3A_669, %dma_wait3A_670] : memref<1000x128xf32, #tpu.memory_space<vmem_shared>> -> memref<1000x128xf32, #tpu.memory_space<vmem_shared>>
    %dma_wait3A_672 = tpu.memref_slice %arg27[%dma_wait3A_665] : memref<4x!tpu.dma_semaphore, #tpu.memory_space<semaphore_mem>> -> memref<1x!tpu.dma_semaphore, #tpu.memory_space<semaphore_mem>>
    %dma_wait3A_673 = tpu.memref_squeeze %dma_wait3A_672 : memref<1x!tpu.dma_semaphore, #tpu.memory_space<semaphore_mem>> -> memref<!tpu.dma_semaphore, #tpu.memory_space<semaphore_mem>>
    tpu.wait_indirect_dma semaphore(%dma_wait3A_673 : memref<!tpu.dma_semaphore, #tpu.memory_space<semaphore_mem>>) src(%dma_wait3A_671 : memref<1000x128xf32, #tpu.memory_space<vmem_shared>>) dst(%arg18 : memref<128x128xf32, #tpu.memory_space<vmem>>)
    %add3A_674 = arith.constant 65536 : i32
    %add3A_675 = arith.addi %add3A_674, %mul3A_2 : i32
    %add3A_676 = arith.constant 0 : i32
    %add3A_677 = arith.addi %add3A_675, %add3A_676 : i32
    %dma_start3A_678 = arith.constant 0 : i32
    %dma_start3A_679 = arith.constant 0 : i32
    %dma_start3A_680 = tpu.memref_slice %arg12[%add3A_677, %dma_start3A_679] : memref<81920x128xf32, #tpu.memory_space<hbm>> -> memref<128x128xf32, #tpu.memory_space<hbm>>
    %dma_start3A_681 = tpu.memref_slice %arg28[%dma_start3A_678] : memref<4x!tpu.dma_semaphore, #tpu.memory_space<semaphore_mem>> -> memref<1x!tpu.dma_semaphore, #tpu.memory_space<semaphore_mem>>
    %dma_start3A_682 = tpu.memref_squeeze %dma_start3A_681 : memref<1x!tpu.dma_semaphore, #tpu.memory_space<semaphore_mem>> -> memref<!tpu.dma_semaphore, #tpu.memory_space<semaphore_mem>>
    %dma_start3A_683 = arith.constant 0 : i32
    %dma_start3A_684 = tpu.memref_slice %arg12[%add3A_677, %dma_start3A_683] : memref<81920x128xf32, #tpu.memory_space<hbm>> -> memref<128x128xf32, #tpu.memory_space<hbm>>
    tpu.enqueue_dma source(%arg18 : memref<128x128xf32, #tpu.memory_space<vmem>>) target(%dma_start3A_684 : memref<128x128xf32, #tpu.memory_space<hbm>>) target_semaphore(%dma_start3A_682 : memref<!tpu.dma_semaphore, #tpu.memory_space<semaphore_mem>>)
    %dma_wait3A_685 = arith.constant 2 : i32
    %dma_wait3A_686 = arith.constant 0 : i32
    %dma_wait3A_687 = tpu.memref_slice %arg12[%add3A_601, %dma_wait3A_686] : memref<81920x128xf32, #tpu.memory_space<hbm>> -> memref<128x128xf32, #tpu.memory_space<hbm>>
    %dma_wait3A_688 = tpu.memref_slice %arg28[%dma_wait3A_685] : memref<4x!tpu.dma_semaphore, #tpu.memory_space<semaphore_mem>> -> memref<1x!tpu.dma_semaphore, #tpu.memory_space<semaphore_mem>>
    %dma_wait3A_689 = tpu.memref_squeeze %dma_wait3A_688 : memref<1x!tpu.dma_semaphore, #tpu.memory_space<semaphore_mem>> -> memref<!tpu.dma_semaphore, #tpu.memory_space<semaphore_mem>>
    %dma_wait3A_690 = arith.constant 0 : i32
    %dma_wait3A_691 = tpu.memref_slice %arg12[%add3A_601, %dma_wait3A_690] : memref<81920x128xf32, #tpu.memory_space<hbm>> -> memref<128x128xf32, #tpu.memory_space<hbm>>
    tpu.wait_dma2 semaphore(%dma_wait3A_689 : memref<!tpu.dma_semaphore, #tpu.memory_space<semaphore_mem>>) src(%arg20 : memref<128x128xf32, #tpu.memory_space<vmem>>) dst(%dma_wait3A_691 : memref<128x128xf32, #tpu.memory_space<hbm>>)
    %dma_start3A_692 = arith.constant 2 : i32
    %dma_start3A_693 = arith.constant 2 : i32
    %dma_start3A_694 = arith.constant 0 : i32
    %dma_start3A_695 = tpu.memref_slice %arg17[%dma_start3A_692, %dma_start3A_694] : memref<4x128xi32, #tpu.memory_space<vmem>> -> memref<1x128xi32, #tpu.memory_space<vmem>>
    %dma_start3A_696 = tpu.memref_squeeze %dma_start3A_695 : memref<1x128xi32, #tpu.memory_space<vmem>> -> memref<128xi32, #tpu.memory_space<vmem>>
    %dma_start3A_697 = arith.constant 0 : i32
    %dma_start3A_698 = arith.constant 0 : i32
    %dma_start3A_699 = tpu.memref_slice %arg24[%dma_start3A_697, %dma_start3A_698] : memref<1000x128xf32, #tpu.memory_space<vmem_shared>> -> memref<1000x128xf32, #tpu.memory_space<vmem_shared>>
    %dma_start3A_700 = tpu.memref_slice %arg27[%dma_start3A_693] : memref<4x!tpu.dma_semaphore, #tpu.memory_space<semaphore_mem>> -> memref<1x!tpu.dma_semaphore, #tpu.memory_space<semaphore_mem>>
    %dma_start3A_701 = tpu.memref_squeeze %dma_start3A_700 : memref<1x!tpu.dma_semaphore, #tpu.memory_space<semaphore_mem>> -> memref<!tpu.dma_semaphore, #tpu.memory_space<semaphore_mem>>
    tpu.enqueue_indirect_dma source(%dma_start3A_699 : memref<1000x128xf32, #tpu.memory_space<vmem_shared>>) target(%arg20 : memref<128x128xf32, #tpu.memory_space<vmem>>) offsets(%dma_start3A_696 : memref<128xi32, #tpu.memory_space<vmem>>) semaphore(%dma_start3A_701 : memref<!tpu.dma_semaphore, #tpu.memory_space<semaphore_mem>>)
    %dma_wait3A_702 = arith.constant 1 : i32
    %dma_wait3A_703 = arith.constant 1 : i32
    %dma_wait3A_704 = arith.constant 0 : i32
    %dma_wait3A_705 = tpu.memref_slice %arg17[%dma_wait3A_702, %dma_wait3A_704] : memref<4x128xi32, #tpu.memory_space<vmem>> -> memref<1x128xi32, #tpu.memory_space<vmem>>
    %dma_wait3A_706 = tpu.memref_squeeze %dma_wait3A_705 : memref<1x128xi32, #tpu.memory_space<vmem>> -> memref<128xi32, #tpu.memory_space<vmem>>
    %dma_wait3A_707 = arith.constant 0 : i32
    %dma_wait3A_708 = arith.constant 0 : i32
    %dma_wait3A_709 = tpu.memref_slice %arg24[%dma_wait3A_707, %dma_wait3A_708] : memref<1000x128xf32, #tpu.memory_space<vmem_shared>> -> memref<1000x128xf32, #tpu.memory_space<vmem_shared>>
    %dma_wait3A_710 = tpu.memref_slice %arg27[%dma_wait3A_703] : memref<4x!tpu.dma_semaphore, #tpu.memory_space<semaphore_mem>> -> memref<1x!tpu.dma_semaphore, #tpu.memory_space<semaphore_mem>>
    %dma_wait3A_711 = tpu.memref_squeeze %dma_wait3A_710 : memref<1x!tpu.dma_semaphore, #tpu.memory_space<semaphore_mem>> -> memref<!tpu.dma_semaphore, #tpu.memory_space<semaphore_mem>>
    tpu.wait_indirect_dma semaphore(%dma_wait3A_711 : memref<!tpu.dma_semaphore, #tpu.memory_space<semaphore_mem>>) src(%dma_wait3A_709 : memref<1000x128xf32, #tpu.memory_space<vmem_shared>>) dst(%arg19 : memref<128x128xf32, #tpu.memory_space<vmem>>)
    %add3A_712 = arith.constant 65536 : i32
    %add3A_713 = arith.addi %add3A_712, %mul3A_2 : i32
    %add3A_714 = arith.constant 128 : i32
    %add3A_715 = arith.addi %add3A_713, %add3A_714 : i32
    %dma_start3A_716 = arith.constant 1 : i32
    %dma_start3A_717 = arith.constant 0 : i32
    %dma_start3A_718 = tpu.memref_slice %arg12[%add3A_715, %dma_start3A_717] : memref<81920x128xf32, #tpu.memory_space<hbm>> -> memref<128x128xf32, #tpu.memory_space<hbm>>
    %dma_start3A_719 = tpu.memref_slice %arg28[%dma_start3A_716] : memref<4x!tpu.dma_semaphore, #tpu.memory_space<semaphore_mem>> -> memref<1x!tpu.dma_semaphore, #tpu.memory_space<semaphore_mem>>
    %dma_start3A_720 = tpu.memref_squeeze %dma_start3A_719 : memref<1x!tpu.dma_semaphore, #tpu.memory_space<semaphore_mem>> -> memref<!tpu.dma_semaphore, #tpu.memory_space<semaphore_mem>>
    %dma_start3A_721 = arith.constant 0 : i32
    %dma_start3A_722 = tpu.memref_slice %arg12[%add3A_715, %dma_start3A_721] : memref<81920x128xf32, #tpu.memory_space<hbm>> -> memref<128x128xf32, #tpu.memory_space<hbm>>
    tpu.enqueue_dma source(%arg19 : memref<128x128xf32, #tpu.memory_space<vmem>>) target(%dma_start3A_722 : memref<128x128xf32, #tpu.memory_space<hbm>>) target_semaphore(%dma_start3A_720 : memref<!tpu.dma_semaphore, #tpu.memory_space<semaphore_mem>>)
    %dma_wait3A_723 = arith.constant 3 : i32
    %dma_wait3A_724 = arith.constant 0 : i32
    %dma_wait3A_725 = tpu.memref_slice %arg12[%add3A_639, %dma_wait3A_724] : memref<81920x128xf32, #tpu.memory_space<hbm>> -> memref<128x128xf32, #tpu.memory_space<hbm>>
    %dma_wait3A_726 = tpu.memref_slice %arg28[%dma_wait3A_723] : memref<4x!tpu.dma_semaphore, #tpu.memory_space<semaphore_mem>> -> memref<1x!tpu.dma_semaphore, #tpu.memory_space<semaphore_mem>>
    %dma_wait3A_727 = tpu.memref_squeeze %dma_wait3A_726 : memref<1x!tpu.dma_semaphore, #tpu.memory_space<semaphore_mem>> -> memref<!tpu.dma_semaphore, #tpu.memory_space<semaphore_mem>>
    %dma_wait3A_728 = arith.constant 0 : i32
    %dma_wait3A_729 = tpu.memref_slice %arg12[%add3A_639, %dma_wait3A_728] : memref<81920x128xf32, #tpu.memory_space<hbm>> -> memref<128x128xf32, #tpu.memory_space<hbm>>
    tpu.wait_dma2 semaphore(%dma_wait3A_727 : memref<!tpu.dma_semaphore, #tpu.memory_space<semaphore_mem>>) src(%arg21 : memref<128x128xf32, #tpu.memory_space<vmem>>) dst(%dma_wait3A_729 : memref<128x128xf32, #tpu.memory_space<hbm>>)
    %dma_start3A_730 = arith.constant 3 : i32
    %dma_start3A_731 = arith.constant 3 : i32
    %dma_start3A_732 = arith.constant 0 : i32
    %dma_start3A_733 = tpu.memref_slice %arg17[%dma_start3A_730, %dma_start3A_732] : memref<4x128xi32, #tpu.memory_space<vmem>> -> memref<1x128xi32, #tpu.memory_space<vmem>>
    %dma_start3A_734 = tpu.memref_squeeze %dma_start3A_733 : memref<1x128xi32, #tpu.memory_space<vmem>> -> memref<128xi32, #tpu.memory_space<vmem>>
    %dma_start3A_735 = arith.constant 0 : i32
    %dma_start3A_736 = arith.constant 0 : i32
    %dma_start3A_737 = tpu.memref_slice %arg24[%dma_start3A_735, %dma_start3A_736] : memref<1000x128xf32, #tpu.memory_space<vmem_shared>> -> memref<1000x128xf32, #tpu.memory_space<vmem_shared>>
    %dma_start3A_738 = tpu.memref_slice %arg27[%dma_start3A_731] : memref<4x!tpu.dma_semaphore, #tpu.memory_space<semaphore_mem>> -> memref<1x!tpu.dma_semaphore, #tpu.memory_space<semaphore_mem>>
    %dma_start3A_739 = tpu.memref_squeeze %dma_start3A_738 : memref<1x!tpu.dma_semaphore, #tpu.memory_space<semaphore_mem>> -> memref<!tpu.dma_semaphore, #tpu.memory_space<semaphore_mem>>
    tpu.enqueue_indirect_dma source(%dma_start3A_737 : memref<1000x128xf32, #tpu.memory_space<vmem_shared>>) target(%arg21 : memref<128x128xf32, #tpu.memory_space<vmem>>) offsets(%dma_start3A_734 : memref<128xi32, #tpu.memory_space<vmem>>) semaphore(%dma_start3A_739 : memref<!tpu.dma_semaphore, #tpu.memory_space<semaphore_mem>>)
    %dma_wait3A_740 = arith.constant 2 : i32
    %dma_wait3A_741 = arith.constant 2 : i32
    %dma_wait3A_742 = arith.constant 0 : i32
    %dma_wait3A_743 = tpu.memref_slice %arg17[%dma_wait3A_740, %dma_wait3A_742] : memref<4x128xi32, #tpu.memory_space<vmem>> -> memref<1x128xi32, #tpu.memory_space<vmem>>
    %dma_wait3A_744 = tpu.memref_squeeze %dma_wait3A_743 : memref<1x128xi32, #tpu.memory_space<vmem>> -> memref<128xi32, #tpu.memory_space<vmem>>
    %dma_wait3A_745 = arith.constant 0 : i32
    %dma_wait3A_746 = arith.constant 0 : i32
    %dma_wait3A_747 = tpu.memref_slice %arg24[%dma_wait3A_745, %dma_wait3A_746] : memref<1000x128xf32, #tpu.memory_space<vmem_shared>> -> memref<1000x128xf32, #tpu.memory_space<vmem_shared>>
    %dma_wait3A_748 = tpu.memref_slice %arg27[%dma_wait3A_741] : memref<4x!tpu.dma_semaphore, #tpu.memory_space<semaphore_mem>> -> memref<1x!tpu.dma_semaphore, #tpu.memory_space<semaphore_mem>>
    %dma_wait3A_749 = tpu.memref_squeeze %dma_wait3A_748 : memref<1x!tpu.dma_semaphore, #tpu.memory_space<semaphore_mem>> -> memref<!tpu.dma_semaphore, #tpu.memory_space<semaphore_mem>>
    tpu.wait_indirect_dma semaphore(%dma_wait3A_749 : memref<!tpu.dma_semaphore, #tpu.memory_space<semaphore_mem>>) src(%dma_wait3A_747 : memref<1000x128xf32, #tpu.memory_space<vmem_shared>>) dst(%arg20 : memref<128x128xf32, #tpu.memory_space<vmem>>)
    %add3A_750 = arith.constant 65536 : i32
    %add3A_751 = arith.addi %add3A_750, %mul3A_2 : i32
    %add3A_752 = arith.constant 256 : i32
    %add3A_753 = arith.addi %add3A_751, %add3A_752 : i32
    %dma_start3A_754 = arith.constant 2 : i32
    %dma_start3A_755 = arith.constant 0 : i32
    %dma_start3A_756 = tpu.memref_slice %arg12[%add3A_753, %dma_start3A_755] : memref<81920x128xf32, #tpu.memory_space<hbm>> -> memref<128x128xf32, #tpu.memory_space<hbm>>
    %dma_start3A_757 = tpu.memref_slice %arg28[%dma_start3A_754] : memref<4x!tpu.dma_semaphore, #tpu.memory_space<semaphore_mem>> -> memref<1x!tpu.dma_semaphore, #tpu.memory_space<semaphore_mem>>
    %dma_start3A_758 = tpu.memref_squeeze %dma_start3A_757 : memref<1x!tpu.dma_semaphore, #tpu.memory_space<semaphore_mem>> -> memref<!tpu.dma_semaphore, #tpu.memory_space<semaphore_mem>>
    %dma_start3A_759 = arith.constant 0 : i32
    %dma_start3A_760 = tpu.memref_slice %arg12[%add3A_753, %dma_start3A_759] : memref<81920x128xf32, #tpu.memory_space<hbm>> -> memref<128x128xf32, #tpu.memory_space<hbm>>
    tpu.enqueue_dma source(%arg20 : memref<128x128xf32, #tpu.memory_space<vmem>>) target(%dma_start3A_760 : memref<128x128xf32, #tpu.memory_space<hbm>>) target_semaphore(%dma_start3A_758 : memref<!tpu.dma_semaphore, #tpu.memory_space<semaphore_mem>>)
    %dma_wait3A_761 = arith.constant 3 : i32
    %dma_wait3A_762 = arith.constant 3 : i32
    %dma_wait3A_763 = arith.constant 0 : i32
    %dma_wait3A_764 = tpu.memref_slice %arg17[%dma_wait3A_761, %dma_wait3A_763] : memref<4x128xi32, #tpu.memory_space<vmem>> -> memref<1x128xi32, #tpu.memory_space<vmem>>
    %dma_wait3A_765 = tpu.memref_squeeze %dma_wait3A_764 : memref<1x128xi32, #tpu.memory_space<vmem>> -> memref<128xi32, #tpu.memory_space<vmem>>
    %dma_wait3A_766 = arith.constant 0 : i32
    %dma_wait3A_767 = arith.constant 0 : i32
    %dma_wait3A_768 = tpu.memref_slice %arg24[%dma_wait3A_766, %dma_wait3A_767] : memref<1000x128xf32, #tpu.memory_space<vmem_shared>> -> memref<1000x128xf32, #tpu.memory_space<vmem_shared>>
    %dma_wait3A_769 = tpu.memref_slice %arg27[%dma_wait3A_762] : memref<4x!tpu.dma_semaphore, #tpu.memory_space<semaphore_mem>> -> memref<1x!tpu.dma_semaphore, #tpu.memory_space<semaphore_mem>>
    %dma_wait3A_770 = tpu.memref_squeeze %dma_wait3A_769 : memref<1x!tpu.dma_semaphore, #tpu.memory_space<semaphore_mem>> -> memref<!tpu.dma_semaphore, #tpu.memory_space<semaphore_mem>>
    tpu.wait_indirect_dma semaphore(%dma_wait3A_770 : memref<!tpu.dma_semaphore, #tpu.memory_space<semaphore_mem>>) src(%dma_wait3A_768 : memref<1000x128xf32, #tpu.memory_space<vmem_shared>>) dst(%arg21 : memref<128x128xf32, #tpu.memory_space<vmem>>)
    %add3A_771 = arith.constant 65536 : i32
    %add3A_772 = arith.addi %add3A_771, %mul3A_2 : i32
    %add3A_773 = arith.constant 384 : i32
    %add3A_774 = arith.addi %add3A_772, %add3A_773 : i32
    %dma_start3A_775 = arith.constant 3 : i32
    %dma_start3A_776 = arith.constant 0 : i32
    %dma_start3A_777 = tpu.memref_slice %arg12[%add3A_774, %dma_start3A_776] : memref<81920x128xf32, #tpu.memory_space<hbm>> -> memref<128x128xf32, #tpu.memory_space<hbm>>
    %dma_start3A_778 = tpu.memref_slice %arg28[%dma_start3A_775] : memref<4x!tpu.dma_semaphore, #tpu.memory_space<semaphore_mem>> -> memref<1x!tpu.dma_semaphore, #tpu.memory_space<semaphore_mem>>
    %dma_start3A_779 = tpu.memref_squeeze %dma_start3A_778 : memref<1x!tpu.dma_semaphore, #tpu.memory_space<semaphore_mem>> -> memref<!tpu.dma_semaphore, #tpu.memory_space<semaphore_mem>>
    %dma_start3A_780 = arith.constant 0 : i32
    %dma_start3A_781 = tpu.memref_slice %arg12[%add3A_774, %dma_start3A_780] : memref<81920x128xf32, #tpu.memory_space<hbm>> -> memref<128x128xf32, #tpu.memory_space<hbm>>
    tpu.enqueue_dma source(%arg21 : memref<128x128xf32, #tpu.memory_space<vmem>>) target(%dma_start3A_781 : memref<128x128xf32, #tpu.memory_space<hbm>>) target_semaphore(%dma_start3A_779 : memref<!tpu.dma_semaphore, #tpu.memory_space<semaphore_mem>>)
    %dma_wait3A_782 = arith.constant 0 : i32
    %dma_wait3A_783 = arith.constant 0 : i32
    %dma_wait3A_784 = tpu.memref_slice %arg12[%add3A_677, %dma_wait3A_783] : memref<81920x128xf32, #tpu.memory_space<hbm>> -> memref<128x128xf32, #tpu.memory_space<hbm>>
    %dma_wait3A_785 = tpu.memref_slice %arg28[%dma_wait3A_782] : memref<4x!tpu.dma_semaphore, #tpu.memory_space<semaphore_mem>> -> memref<1x!tpu.dma_semaphore, #tpu.memory_space<semaphore_mem>>
    %dma_wait3A_786 = tpu.memref_squeeze %dma_wait3A_785 : memref<1x!tpu.dma_semaphore, #tpu.memory_space<semaphore_mem>> -> memref<!tpu.dma_semaphore, #tpu.memory_space<semaphore_mem>>
    %dma_wait3A_787 = arith.constant 0 : i32
    %dma_wait3A_788 = tpu.memref_slice %arg12[%add3A_677, %dma_wait3A_787] : memref<81920x128xf32, #tpu.memory_space<hbm>> -> memref<128x128xf32, #tpu.memory_space<hbm>>
    tpu.wait_dma2 semaphore(%dma_wait3A_786 : memref<!tpu.dma_semaphore, #tpu.memory_space<semaphore_mem>>) src(%arg18 : memref<128x128xf32, #tpu.memory_space<vmem>>) dst(%dma_wait3A_788 : memref<128x128xf32, #tpu.memory_space<hbm>>)
    %dma_wait3A_789 = arith.constant 1 : i32
    %dma_wait3A_790 = arith.constant 0 : i32
    %dma_wait3A_791 = tpu.memref_slice %arg12[%add3A_715, %dma_wait3A_790] : memref<81920x128xf32, #tpu.memory_space<hbm>> -> memref<128x128xf32, #tpu.memory_space<hbm>>
    %dma_wait3A_792 = tpu.memref_slice %arg28[%dma_wait3A_789] : memref<4x!tpu.dma_semaphore, #tpu.memory_space<semaphore_mem>> -> memref<1x!tpu.dma_semaphore, #tpu.memory_space<semaphore_mem>>
    %dma_wait3A_793 = tpu.memref_squeeze %dma_wait3A_792 : memref<1x!tpu.dma_semaphore, #tpu.memory_space<semaphore_mem>> -> memref<!tpu.dma_semaphore, #tpu.memory_space<semaphore_mem>>
    %dma_wait3A_794 = arith.constant 0 : i32
    %dma_wait3A_795 = tpu.memref_slice %arg12[%add3A_715, %dma_wait3A_794] : memref<81920x128xf32, #tpu.memory_space<hbm>> -> memref<128x128xf32, #tpu.memory_space<hbm>>
    tpu.wait_dma2 semaphore(%dma_wait3A_793 : memref<!tpu.dma_semaphore, #tpu.memory_space<semaphore_mem>>) src(%arg19 : memref<128x128xf32, #tpu.memory_space<vmem>>) dst(%dma_wait3A_795 : memref<128x128xf32, #tpu.memory_space<hbm>>)
    %dma_wait3A_796 = arith.constant 2 : i32
    %dma_wait3A_797 = arith.constant 0 : i32
    %dma_wait3A_798 = tpu.memref_slice %arg12[%add3A_753, %dma_wait3A_797] : memref<81920x128xf32, #tpu.memory_space<hbm>> -> memref<128x128xf32, #tpu.memory_space<hbm>>
    %dma_wait3A_799 = tpu.memref_slice %arg28[%dma_wait3A_796] : memref<4x!tpu.dma_semaphore, #tpu.memory_space<semaphore_mem>> -> memref<1x!tpu.dma_semaphore, #tpu.memory_space<semaphore_mem>>
    %dma_wait3A_800 = tpu.memref_squeeze %dma_wait3A_799 : memref<1x!tpu.dma_semaphore, #tpu.memory_space<semaphore_mem>> -> memref<!tpu.dma_semaphore, #tpu.memory_space<semaphore_mem>>
    %dma_wait3A_801 = arith.constant 0 : i32
    %dma_wait3A_802 = tpu.memref_slice %arg12[%add3A_753, %dma_wait3A_801] : memref<81920x128xf32, #tpu.memory_space<hbm>> -> memref<128x128xf32, #tpu.memory_space<hbm>>
    tpu.wait_dma2 semaphore(%dma_wait3A_800 : memref<!tpu.dma_semaphore, #tpu.memory_space<semaphore_mem>>) src(%arg20 : memref<128x128xf32, #tpu.memory_space<vmem>>) dst(%dma_wait3A_802 : memref<128x128xf32, #tpu.memory_space<hbm>>)
    %dma_wait3A_803 = arith.constant 3 : i32
    %dma_wait3A_804 = arith.constant 0 : i32
    %dma_wait3A_805 = tpu.memref_slice %arg12[%add3A_774, %dma_wait3A_804] : memref<81920x128xf32, #tpu.memory_space<hbm>> -> memref<128x128xf32, #tpu.memory_space<hbm>>
    %dma_wait3A_806 = tpu.memref_slice %arg28[%dma_wait3A_803] : memref<4x!tpu.dma_semaphore, #tpu.memory_space<semaphore_mem>> -> memref<1x!tpu.dma_semaphore, #tpu.memory_space<semaphore_mem>>
    %dma_wait3A_807 = tpu.memref_squeeze %dma_wait3A_806 : memref<1x!tpu.dma_semaphore, #tpu.memory_space<semaphore_mem>> -> memref<!tpu.dma_semaphore, #tpu.memory_space<semaphore_mem>>
    %dma_wait3A_808 = arith.constant 0 : i32
    %dma_wait3A_809 = tpu.memref_slice %arg12[%add3A_774, %dma_wait3A_808] : memref<81920x128xf32, #tpu.memory_space<hbm>> -> memref<128x128xf32, #tpu.memory_space<hbm>>
    tpu.wait_dma2 semaphore(%dma_wait3A_807 : memref<!tpu.dma_semaphore, #tpu.memory_space<semaphore_mem>>) src(%arg21 : memref<128x128xf32, #tpu.memory_space<vmem>>) dst(%dma_wait3A_809 : memref<128x128xf32, #tpu.memory_space<hbm>>)
    return
  }
}

module attributes {stable_mosaic.version = 14 : i64} {
  func.func @_tc_body(%arg0: i32, %arg1: memref<4096x128xf32, #tpu.memory_space<vmem>>, %arg2: memref<4096x128xf32, #tpu.memory_space<vmem>>, %arg3: memref<4096x128xf32, #tpu.memory_space<vmem>>, %arg4: memref<4096x128xf32, #tpu.memory_space<vmem>>, %arg5: memref<4096x128xf32, #tpu.memory_space<vmem>>, %arg6: memref<384x128xf32, #tpu.memory_space<vmem>>, %arg7: memref<128xf32, #tpu.memory_space<vmem>>, %arg8: memref<256x128xf32, #tpu.memory_space<vmem>>, %arg9: memref<128xf32, #tpu.memory_space<vmem>>, %arg10: memref<4096xf32, #tpu.memory_space<vmem>>) attributes {dimension_semantics = [#tpu.dimension_semantics<arbitrary>], iteration_bounds = array<i64: 4>, scalar_prefetch = 0 : i64, scratch_operands = 0 : i64, tpu.core_type = #tpu.core_type<tc>, window_params = [{transform_indices = @transform_0, window_bounds = array<i64: 4096, 128>}, {transform_indices = @transform_1, window_bounds = array<i64: 4096, 128>}, {transform_indices = @transform_2, window_bounds = array<i64: 4096, 128>}, {transform_indices = @transform_3, window_bounds = array<i64: 4096, 128>}, {transform_indices = @transform_4, window_bounds = array<i64: 4096, 128>}, {pipeline_mode = #tpu.pipeline_mode<synchronous>, transform_indices = @transform_5, window_bounds = array<i64: 384, 128>}, {pipeline_mode = #tpu.pipeline_mode<synchronous>, transform_indices = @transform_6, window_bounds = array<i64: 128>}, {pipeline_mode = #tpu.pipeline_mode<synchronous>, transform_indices = @transform_7, window_bounds = array<i64: 256, 128>}, {pipeline_mode = #tpu.pipeline_mode<synchronous>, transform_indices = @transform_8, window_bounds = array<i64: 128>}, {transform_indices = @transform_9, window_bounds = array<i64: 4096>}]} {
    %get3A = arith.constant 0 : index
    %get3A_0 = arith.constant 0 : index
    %get3A_1 = vector.load %arg1[%get3A, %get3A_0] : memref<4096x128xf32, #tpu.memory_space<vmem>>, vector<4096x128xf32>
    %get3A_2 = arith.constant 0 : index
    %get3A_3 = arith.constant 0 : index
    %get3A_4 = vector.load %arg2[%get3A_2, %get3A_3] : memref<4096x128xf32, #tpu.memory_space<vmem>>, vector<4096x128xf32>
    %get3A_5 = arith.constant 0 : index
    %get3A_6 = arith.constant 0 : index
    %get3A_7 = vector.load %arg3[%get3A_5, %get3A_6] : memref<4096x128xf32, #tpu.memory_space<vmem>>, vector<4096x128xf32>
    %concatenate3A = tpu.concatenate %get3A_1, %get3A_4, %get3A_7 in 1 : vector<4096x128xf32>, vector<4096x128xf32>, vector<4096x128xf32> -> vector<4096x384xf32>
    %get3A_8 = arith.constant 0 : index
    %get3A_9 = arith.constant 0 : index
    %get3A_10 = vector.load %arg6[%get3A_8, %get3A_9] : memref<384x128xf32, #tpu.memory_space<vmem>>, vector<384x128xf32>
    %dot_general3A = arith.constant dense<0.000000e+00> : vector<4096x128xf32>
    %dot_general3A_11 = tpu.matmul %concatenate3A, %get3A_10, %dot_general3A {dimension_numbers = #tpu.dot_dimension_numbers<[1], [0], [0], [1], [0, 0, 1, 1], [], []>, transpose_lhs_hint = false} : vector<4096x384xf32>, vector<384x128xf32>, vector<4096x128xf32> -> vector<4096x128xf32>
    %get3A_12 = arith.constant 0 : index
    %get3A_13 = vector.load %arg7[%get3A_12] : memref<128xf32, #tpu.memory_space<vmem>>, vector<128xf32>
    %broadcast_in_dim3A = vector.shape_cast %get3A_13 : vector<128xf32> to vector<1x128xf32>
    %add3A = vector.broadcast %broadcast_in_dim3A : vector<1x128xf32> to vector<4096x128xf32>
    %add3A_14 = arith.addf %dot_general3A_11, %add3A : vector<4096x128xf32>
    %get3A_15 = arith.constant 0 : index
    %get3A_16 = arith.constant 0 : index
    %get3A_17 = vector.load %arg4[%get3A_15, %get3A_16] : memref<4096x128xf32, #tpu.memory_space<vmem>>, vector<4096x128xf32>
    %get3A_18 = arith.constant 0 : index
    %get3A_19 = arith.constant 0 : index
    %get3A_20 = vector.load %arg5[%get3A_18, %get3A_19] : memref<4096x128xf32, #tpu.memory_space<vmem>>, vector<4096x128xf32>
    %concatenate3A_21 = tpu.concatenate %get3A_17, %get3A_20 in 1 : vector<4096x128xf32>, vector<4096x128xf32> -> vector<4096x256xf32>
    %get3A_22 = arith.constant 0 : index
    %get3A_23 = arith.constant 0 : index
    %get3A_24 = vector.load %arg8[%get3A_22, %get3A_23] : memref<256x128xf32, #tpu.memory_space<vmem>>, vector<256x128xf32>
    %dot_general3A_25 = arith.constant dense<0.000000e+00> : vector<4096x128xf32>
    %dot_general3A_26 = tpu.matmul %concatenate3A_21, %get3A_24, %dot_general3A_25 {dimension_numbers = #tpu.dot_dimension_numbers<[1], [0], [0], [1], [0, 0, 1, 1], [], []>, transpose_lhs_hint = false} : vector<4096x256xf32>, vector<256x128xf32>, vector<4096x128xf32> -> vector<4096x128xf32>
    %get3A_27 = arith.constant 0 : index
    %get3A_28 = vector.load %arg9[%get3A_27] : memref<128xf32, #tpu.memory_space<vmem>>, vector<128xf32>
    %broadcast_in_dim3A_29 = vector.shape_cast %get3A_28 : vector<128xf32> to vector<1x128xf32>
    %add3A_30 = vector.broadcast %broadcast_in_dim3A_29 : vector<1x128xf32> to vector<4096x128xf32>
    %add3A_31 = arith.addf %dot_general3A_26, %add3A_30 : vector<4096x128xf32>
    %broadcast_in_dim3A_32 = arith.constant 1.000000e+00 : f32
    %broadcast_in_dim3A_33 = vector.broadcast %broadcast_in_dim3A_32 : f32 to vector<128x1xf32>
    %mul3A = arith.mulf %add3A_14, %add3A_31 : vector<4096x128xf32>
    %dot_general3A_34 = arith.constant dense<0.000000e+00> : vector<4096x1xf32>
    %dot_general3A_35 = tpu.matmul %mul3A, %broadcast_in_dim3A_33, %dot_general3A_34 {dimension_numbers = #tpu.dot_dimension_numbers<[1], [0], [0], [1], [0, 0, 1, 1], [], []>, transpose_lhs_hint = false} : vector<4096x128xf32>, vector<128x1xf32>, vector<4096x1xf32> -> vector<4096x1xf32>
    %squeeze3A = vector.shape_cast %dot_general3A_35 : vector<4096x1xf32> to vector<4096xf32>
    %swap3A = arith.constant 0 : index
    %swap3A_36 = vector.load %arg10[%swap3A] : memref<4096xf32, #tpu.memory_space<vmem>>, vector<4096xf32>
    tpu.vector_store %arg10[%swap3A], %squeeze3A {strides = array<i32>} : memref<4096xf32, #tpu.memory_space<vmem>>, vector<4096xf32>,
    return
  }
  func.func @transform_0(%arg0: i32) -> (i32, i32) {
    %add3A = arith.constant 0 : i32
    %add3A_0 = arith.addi %add3A, %arg0 : i32
    %c0_i32 = arith.constant 0 : i32
    %c0_i32_1 = arith.constant 0 : i32
    return %add3A_0, %c0_i32 : i32, i32
  }
  func.func @transform_1(%arg0: i32) -> (i32, i32) {
    %add3A = arith.constant 4 : i32
    %add3A_0 = arith.addi %add3A, %arg0 : i32
    %c0_i32 = arith.constant 0 : i32
    %c0_i32_1 = arith.constant 0 : i32
    return %add3A_0, %c0_i32 : i32, i32
  }
  func.func @transform_2(%arg0: i32) -> (i32, i32) {
    %add3A = arith.constant 8 : i32
    %add3A_0 = arith.addi %add3A, %arg0 : i32
    %c0_i32 = arith.constant 0 : i32
    %c0_i32_1 = arith.constant 0 : i32
    return %add3A_0, %c0_i32 : i32, i32
  }
  func.func @transform_3(%arg0: i32) -> (i32, i32) {
    %add3A = arith.constant 12 : i32
    %add3A_0 = arith.addi %add3A, %arg0 : i32
    %c0_i32 = arith.constant 0 : i32
    %c0_i32_1 = arith.constant 0 : i32
    return %add3A_0, %c0_i32 : i32, i32
  }
  func.func @transform_4(%arg0: i32) -> (i32, i32) {
    %add3A = arith.constant 16 : i32
    %add3A_0 = arith.addi %add3A, %arg0 : i32
    %c0_i32 = arith.constant 0 : i32
    %c0_i32_1 = arith.constant 0 : i32
    return %add3A_0, %c0_i32 : i32, i32
  }
  func.func @transform_5(%arg0: i32) -> (i32, i32) {
    %c0_i32 = arith.constant 0 : i32
    %c0_i32_0 = arith.constant 0 : i32
    %c0_i32_1 = arith.constant 0 : i32
    return %c0_i32, %c0_i32_0 : i32, i32
  }
  func.func @transform_6(%arg0: i32) -> i32 {
    %c0_i32 = arith.constant 0 : i32
    %c0_i32_0 = arith.constant 0 : i32
    return %c0_i32 : i32
  }
  func.func @transform_7(%arg0: i32) -> (i32, i32) {
    %c0_i32 = arith.constant 0 : i32
    %c0_i32_0 = arith.constant 0 : i32
    %c0_i32_1 = arith.constant 0 : i32
    return %c0_i32, %c0_i32_0 : i32, i32
  }
  func.func @transform_8(%arg0: i32) -> i32 {
    %c0_i32 = arith.constant 0 : i32
    %c0_i32_0 = arith.constant 0 : i32
    return %c0_i32 : i32
  }
  func.func @transform_9(%arg0: i32) -> i32 {
    %c0_i32 = arith.constant 0 : i32
    return %arg0 : i32
  }
}

</mosaic_0001>

<sc_bundles>
// kernel: kernel.4.cloned.1.call-start
scs
__scs_entry_jumppad:
0x0: {  	(pc) =	sbr.rel $0x88, $3  }
0x1: {  	(tag) =	ssettag $0x0;
	lr =	simm.s32 $0x1  }
0x2: {  	[smem:$0x3F93] =	sst lr;
	_ =	strace $0xD0000000  }
0x3: {  	_ = 	snop  }
0x4: {  	_ = 	snop  }
0x5: {  	_ = 	snop  }
0x6: {  	_ = 	snop  }
0x7: {  	_ = 	snop  }
__scs_overlays_trampoline_lowered:
0x8: {  	[smem:$0x3FA2] =	sst s0  }
0x9: {  	[smem:$0x3FA3] =	sst s1  }
0xa: {  	[smem:$0x3FA4] =	sst s2  }
0xb: {  	[smem:$0x3FA5] =	sst s3  }
0xc: {  	[smem:$0x3FA6] =	sst s4  }
0xd: {  	[smem:$0x3FA7] =	sst s5  }
0xe: {  	[smem:$0x3FA8] =	sst s6  }
0xf: {  	[smem:$0x3FA9] =	sst s7  }
0x10: {  	[smem:$0x3FAA] =	sst s8  }
0x11: {  	[smem:$0x3FAB] =	sst s9;
	s0 =	simm.s32 @!p0 $0x0  }
0x12: {  	s1 =	sld [smem:$0x3F91];
	s0 =	simm.s32 @p0 $0x1  }
0x13: {  	[smem:$0x3FAC] =	sst s0;
	s0 =	simm.s32 @!p1 $0x0  }
0x14: {  	s2 =	sld [smem:$0x3F90];
	s0 =	simm.s32 @p1 $0x1  }
0x15: {  	[smem:$0x3FAD] =	sst s0;
	s0 =	simm.s32 @!p2 $0x0  }
0x16: {  	s3 =	sld [smem:$0x3FDB];
	s0 =	simm.s32 @p2 $0x1  }
0x17: {  	s4 =	simm.s32 $0x1BF5;
	[smem:$0x3FAF] =	sst s0  }
0x18: {  	s0 =	sld [smem:$0x3F92];
	_ =	swait.ge [sflag:s4], $0x0  }
0x19: {  	s7 =	sld [smem:$0x3F93]  }
0x1a: {  	s8 =	sadd.s32 $0xFFFFE003, lr  }
0x1b: {  	s9 =	sadd.s32 $0xFFFFFEF7, lr;
	s5 =	simm.s32 $0xFFFFFFFF;
	p2 =	slt.u32 s8, $0xFFFFF086  }
0x1c: {  	p1 =	slt.u32 s9, $0xF7A;
	s5 =	simm.s32 @!p2 $0x0  }
0x1d: {  	s5 =	simm.s32 @p1 $0x1;
	p0 =	seq.s32 s7, s2  }
0x1e: {  	s7 =	smul.u32 @!p0 $0xF7A, s2;
	p2 =	seq.s32 @!p0 s5, $0x0  }
0x1f: {  	s9 =	smul.u32 $0xF7A, s1;
	s8 =	simm.s32 @!p0 $0x1BF5;
	p2 =	por !p2, p0  }
0x20: {  	[sflag:s8] =	ssyncset.s32 @!p0 $0xFFFFF086;
	s6 =	sadd.s32 @!p0 s3, s7;
	s7 =	simm.s32 @!p0 $0x108  }
0x21: {  	s3 =	sadd.s32 s3, s9;
	s6 =	sadd.s32 @!p0 $0x88, s6;
	s7 =	simm.s32 @p2 $0x1082  }
0x22: {  	[simem:s7], [sflag:s8] =	dma.local @!p0 [hbm:s6], $0xF7A  }
0x23: {  	s9 =	sor.u32 $0xD0000000, s2;
	s6 =	simm.s32 $0x108;
	_ =	swait.ge @!p0 [sflag:s8], $0x0  }
0x24: {  	s3 =	sadd.s32 $0x88, s3;
	s6 =	simm.s32 @!p1 $0x1082;
	[sflag:s4] =	ssyncset.s32 $0xFFFFF086  }
0x25: {  	[simem:s6], [sflag:s4] =	dma.local [hbm:s3], $0xF7A  }
0x26: {  	[smem:$0x3F93] =	sst s1;
	(tag) =	ssettag s2;
	_ =	strace s9  }
0x27: {  	s1 =	sld [smem:$0x3FA3]  }
0x28: {  	s2 =	sld [smem:$0x3FA4]  }
0x29: {  	s4 =	sld [smem:$0x3FA6]  }
0x2a: {  	p0 =	seq.s32 s5, $0x0;
	s5 =	sld [smem:$0x3FA7]  }
0x2b: {  	s6 =	sld [smem:$0x3FA8]  }
0x2c: {  	s7 =	sld [smem:$0x3FA9]  }
0x2d: {  	s3 =	simm.s32 $0x108;
	s8 =	sld [smem:$0x3FAA]  }
0x2e: {  	s3 =	simm.s32 @!p0 $0x1082;
	s9 =	sld [smem:$0x3FAB]  }
0x2f: {  	lr =	sadd.s32 s0, s3;
	s0 =	sld [smem:$0x3FA2]  }
0x30: {  	s3 =	sld [smem:$0x3FA5]  }
0x31: {  	[smem:$0x3FAE] =	sst s10  }
0x32: {  	s10 =	sld [smem:$0x3FAC];
	_ =	sdelay $0x3  }
0x33: {  	p0 =	seq.s32 s10, $0x1;
	s10 =	sld [smem:$0x3FAE];
	_ =	sdelay $0x3  }
0x34: {  	[smem:$0x3FAE] =	sst s10  }
0x35: {  	s10 =	sld [smem:$0x3FAD];
	_ =	sdelay $0x3  }
0x36: {  	p1 =	seq.s32 s10, $0x1;
	s10 =	sld [smem:$0x3FAE];
	_ =	sdelay $0x3  }
0x37: {  	[smem:$0x3FAE] =	sst s10  }
0x38: {  	s10 =	sld [smem:$0x3FAF]  }
0x39: {  	_ = 	snop;
	(pc) =	sbr.ind lr, $3  }
0x3a: {  	_ = 	snop  }
0x3b: {  	_ = 	snop  }
0x3c: {  	p2 =	seq.s32 s10, $0x1;
	s10 =	sld [smem:$0x3FAE]  }
0x3d: {  	_ =	shalt  }
0x3e: {  	_ =	shalt  }
0x3f: {  	_ =	shalt  }
0x40: {  	_ =	shalt  }
0x41: {  	_ =	shalt  }
0x42: {  	_ =	shalt  }
0x43: {  	_ =	shalt  }
0x44: {  	_ =	shalt  }
0x45: {  	_ =	shalt  }
0x46: {  	_ =	shalt  }
0x47: {  	_ =	shalt  }
0x48: {  	_ =	shalt  }
0x49: {  	_ =	shalt  }
0x4a: {  	_ =	shalt  }
0x4b: {  	_ =	shalt  }
0x4c: {  	_ =	shalt  }
0x4d: {  	_ =	shalt  }
0x4e: {  	_ =	shalt  }
0x4f: {  	_ =	shalt  }
0x50: {  	_ =	shalt  }
0x51: {  	_ =	shalt  }
0x52: {  	_ =	shalt  }
0x53: {  	_ =	shalt  }
0x54: {  	_ =	shalt  }
0x55: {  	_ =	shalt  }
0x56: {  	_ =	shalt  }
0x57: {  	_ =	shalt  }
0x58: {  	_ =	shalt  }
0x59: {  	_ =	shalt  }
0x5a: {  	_ =	shalt  }
0x5b: {  	_ =	shalt  }
0x5c: {  	_ =	shalt  }
0x5d: {  	_ =	shalt  }
0x5e: {  	_ =	shalt  }
0x5f: {  	_ =	shalt  }
0x60: {  	_ =	shalt  }
0x61: {  	_ =	shalt  }
0x62: {  	_ =	shalt  }
0x63: {  	_ =	shalt  }
0x64: {  	_ =	shalt  }
0x65: {  	_ =	shalt  }
0x66: {  	_ =	shalt  }
0x67: {  	_ =	shalt  }
0x68: {  	_ =	shalt  }
0x69: {  	_ =	shalt  }
0x6a: {  	_ =	shalt  }
0x6b: {  	_ =	shalt  }
0x6c: {  	_ =	shalt  }
0x6d: {  	_ =	shalt  }
0x6e: {  	_ =	shalt  }
0x6f: {  	_ =	shalt  }
0x70: {  	_ =	shalt  }
0x71: {  	_ =	shalt  }
0x72: {  	_ =	shalt  }
0x73: {  	_ =	shalt  }
0x74: {  	_ =	shalt  }
0x75: {  	_ =	shalt  }
0x76: {  	_ =	shalt  }
0x77: {  	_ =	shalt  }
0x78: {  	_ =	shalt  }
0x79: {  	_ =	shalt  }
0x7a: {  	_ =	shalt  }
0x7b: {  	_ =	shalt  }
0x7c: {  	_ =	shalt  }
0x7d: {  	_ =	shalt  }
0x7e: {  	_ =	shalt  }
0x7f: {  	_ =	shalt  }
0x80: {  	_ =	shalt  }
0x81: {  	_ =	shalt  }
0x82: {  	_ =	shalt  }
0x83: {  	_ =	shalt  }
0x84: {  	_ =	shalt  }
0x85: {  	_ =	shalt  }
0x86: {  	_ =	shalt  }
0x87: {  	_ =	shalt  }
.Lfunc_end0:
.L_simem_size_0:
called_computation_lowered:
.L_overlay_start_0:
0x88: {  	s2 =	sld [smem:$0x3FD9]  }
0x89: {  	s3 =	sld [smem:$0x3FFE];
	_ =	sdelay $0x1  }
0x8a: {  	s1 =	srdreg.scid  }
0x8b: {  	s0 =	sand.u32 $0x1, s1  }
0x8c: {  	s28 =	sshll.u32 s0, $0xA;
	s2 =	sadd.s32 s3, s2  }
0x8d: {  	s2 =	sadd.s32 s2, s28  }
0x8e: {  	[smem:$0x3FBA] =	sst s2  }
0x8f: {  	_ = 	snop  }
0x90: {  	s2 =	sld [smem:$0x3FC9]  }
0x91: {  	s29 =	sld [smem:$0x3FC8]  }
0x92: {  	s4 =	sld [smem:$0x3FC7]  }
0x93: {  	s5 =	sld [smem:$0x3FC6]  }
0x94: {  	s6 =	sld [smem:$0x3FC5]  }
0x95: {  	s8 =	sld [smem:$0x3FC4]  }
0x96: {  	s9 =	sld [smem:$0x3FC3]  }
0x97: {  	s10 =	sld [smem:$0x3FC2]  }
0x98: {  	s11 =	sld [smem:$0x3FC1]  }
0x99: {  	s12 =	sld [smem:$0x3FC0];
	(tm) =	ssettm $0x1  }
0x9a: {  	s7 =	sld [smem:$0x3FFB];
	_ =	sdelay $0x3  }
0x9b: {  	_ =	strace s7  }
0x9c: {  	s7 =	sld [smem:$0x3FFC];
	_ =	sdelay $0x3  }
0x9d: {  	_ =	strace s7  }
0x9e: {  	s7 =	sld [smem:$0x3FFD];
	_ =	sdelay $0x3  }
0x9f: {  	_ =	strace s7  }
0xa0: {  	_ =	strace $0x8FFFFFFF  }
0xa1: {  	s30 =	sld [smem:$0x3FDB];
	_ =	sdelay $0x1  }
0xa2: {  	s13 =	simm.s32 $_scs_section_size  }
0xa3: {  	s14 =	simm.s32 $_size__tile_task_arg_handler_lowered;
	s15 =	simm.s32 $_tile_task_arg_handler_lowered  }
0xa4: {  	s17 =	simm.s32 $0x1BFF;
	s16 =	sshll.u32 s15, $0x1;
	s13 =	sadd.s32 s13, s30  }
0xa5: {  	s31 =	sshll.u32 s14, $0x1;
	s14 =	sadd.s32 s16, s13;
	s16 =	simm.s32 $0x60  }
0xa6: {  	[timem:s16], [sflag:s17] =	dma.local [hbm:s14], s31  }
0xa7: {  	_ =	swait.ge [sflag:s17], s31  }
0xa8: {  	s18 =	simm.s32 $_tile_overlayer_lowered;
	s7 =	ssub.s32 $0x0, s31;
	[sflag:s17] =	ssyncset.done $0x0  }
0xa9: {  	s19 =	simm.s32 $_size__tile_overlayer_lowered;
	s14 =	sshll.u32 s18, $0x1;
	[sflag:s17] =	ssyncadd.s32 s7  }
0xaa: {  	s21 =	simm.s32 $0x0;
	s20 =	sshll.u32 s19, $0x1;
	s14 =	sadd.s32 s14, s13  }
0xab: {  	[timem:s21], [sflag:s17] =	dma.local [hbm:s14], s20  }
0xac: {  	_ =	swait.ge [sflag:s17], s20  }
0xad: {  	s22 =	ssub.s32 $0x0, s20;
	[sflag:s17] =	ssyncset.done $0x0  }
0xae: {  	[sflag:s17] =	ssyncadd.s32 s22;
	_ =	sdelay $0x1  }
0xaf: {  	s23 =	simm.s32 $0x1B8B  }
0xb0: {  	_ =	swait.ge [sflag:s23], $0x1  }
0xb1: {  	[sflag:s23] =	ssyncset.done $0x0  }
0xb2: {  	s25 =	simm.s32 $0x1B8E;
	s24 =	sld [smem:$0x3FFE];
	[sflag:s23] =	ssyncadd.s32 $0xFFFFFFFF  }
0xb3: {  	s26 =	simm.s32 $execute0_lowered;
	[smem:$0x3FD2] =	sst s25  }
0xb4: {  	s15 =	sshll.u32 s26, $0x1;
	_ =	strace $0x80000046;
	[dreg:$0x1] =	wrdreg $0xFFFFFFFF  }
0xb5: {  	s28 =	simm.s32 $_size_execute0_lowered;
	s13 =	sadd.s32 s13, s15;
	[dreg:$0x0] =	wrdreg $0x0  }
0xb6: {  	s15 =	sshll.u32 s28, $0x1;
	[dreg:$0x2] =	wrdreg s13  }
0xb7: {  	[dreg:$0x3] =	wrdreg s15  }
0xb8: {  	[dreg:$0x4] =	wrdreg $0xC0  }
0xb9: {  	_ =	task [dreg:s21], $0x5FFFF  }
0xba: {  	[dreg:$0x1] =	wrdreg $0xFFFFFFFF  }
0xbb: {  	[dreg:$0x0] =	wrdreg $0x30  }
0xbc: {  	[dreg:$0x2] =	wrdreg $0x0  }
0xbd: {  	[dreg:$0x3] =	wrdreg $0x9  }
0xbe: {  	_ =	task [dreg:s21], $0x4FFFF  }
0xbf: {  	[dreg:$0x1] =	wrdreg $0xFFFFFFFF  }
0xc0: {  	[dreg:$0x0] =	wrdreg $0x60  }
0xc1: {  	[dreg:$0x2] =	wrdreg s8  }
0xc2: {  	[dreg:$0x3] =	wrdreg s9  }
0xc3: {  	[dreg:$0x4] =	wrdreg s10  }
0xc4: {  	[dreg:$0x5] =	wrdreg s11  }
0xc5: {  	[dreg:$0x6] =	wrdreg s12  }
0xc6: {  	[dreg:$0x7] =	wrdreg s2  }
0xc7: {  	[dreg:$0x8] =	wrdreg s29  }
0xc8: {  	[dreg:$0x9] =	wrdreg s4  }
0xc9: {  	[dreg:$0xa] =	wrdreg s5  }
0xca: {  	[dreg:$0xb] =	wrdreg s6  }
0xcb: {  	[dreg:$0xc] =	wrdreg s24  }
0xcc: {  	[dreg:$0xd] =	wrdreg $0x10A000  }
0xcd: {  	[dreg:$0xe] =	wrdreg $0x129400  }
0xce: {  	[dreg:$0xf] =	wrdreg $0x148800  }
0xcf: {  	_ =	task.clear_ibuf [dreg:s21], $0x10FFFF;
	_ =	strace $0x90000046  }
0xd0: {  	s29 =	simm.s32 $0x9;
	_ =	strace $0x80000048  }
0xd1: {  	_ =	swait.ge [sflag:s29], $0x1  }
0xd2: {  	[sflag:s29] =	ssyncadd.s32 $0xFFFFFFFF  }
0xd3: {  	_ =	strace $0x90000048  }
0xd4: {  	_ =	sfence  }
0xd5: {  	s30 =	sld [smem:$0x0];
	_ =	sdelay $0x2  }
0xd6: {  	s31 =	sshll.u32 s1, $0xD;
	s1 =	sshrl.u32 s1, $0x2  }
0xd7: {  	s3 =	sand.u32 $0x4000, s31;
	s1 =	sadd.s32 s1, s30  }
0xd8: {  	s0 =	sor.u32 s3, s0;
	s1 =	sshll.u32 s1, $0x11  }
0xd9: {  	s0 =	sor.u32 s1, s0  }
0xda: {  	s0 =	sadd.s32 $0x8F2B, s0  }
0xdb: {  	[sflag:s0] =	ssyncadd.remote.s32 $0x1  }
0xdc: {  	_ =	sfence.sel $0xFFFF  }
0xdd: {  	[dreg:$0x0] =	wrdreg $0xFFFFFFFF;
	(pc) =	sbr.abs _section_cstart, $3  }
0xde: {  	[dreg:$0x1] =	wrdreg $0xFFFFFFFF  }
0xdf: {  	_ =	task.clear_ibuf [dreg:s21], $0x2FFFF;
	_ =	strace $0x9FFFFFFF  }
0xe0: {  	(tm) =	ssettm $0x7FFFFFFF  }
0xe1: {  	_ =	shalt  }
tec
_tile_task_arg_handler_lowered:
.L_overlay_start_1:
0x0: {  	(tag) =	ssettag $0x1  }
0x1: {  	s0 =	rddreg [dreg:$0x0]  }
0x2: {  	s1 =	rddreg [dreg:$0x1]  }
0x3: {  	s2 =	rddreg [dreg:$0x2]  }
0x4: {  	s3 =	rddreg [dreg:$0x3]  }
0x5: {  	s4 =	rddreg [dreg:$0x4]  }
0x6: {  	s5 =	rddreg [dreg:$0x5]  }
0x7: {  	s6 =	rddreg [dreg:$0x6]  }
0x8: {  	s7 =	rddreg [dreg:$0x7]  }
0x9: {  	s8 =	rddreg [dreg:$0x8]  }
0xa: {  	s9 =	rddreg [dreg:$0x9]  }
0xb: {  	s10 =	rddreg [dreg:$0xa]  }
0xc: {  	s11 =	rddreg [dreg:$0xb]  }
0xd: {  	s12 =	rddreg [dreg:$0xc]  }
0xe: {  	s13 =	rddreg [dreg:$0xd]  }
0xf: {  	[smem:s0] =	sst s1  }
0x10: {  	[smem:s0+$0x1] =	sst s2  }
0x11: {  	[smem:s0+$0x2] =	sst s3  }
0x12: {  	[smem:s0+$0x3] =	sst s4  }
0x13: {  	[smem:s0+$0x4] =	sst s5  }
0x14: {  	[smem:s0+$0x5] =	sst s6  }
0x15: {  	[smem:s0+$0x6] =	sst s7  }
0x16: {  	[smem:s0+$0x7] =	sst s8  }
0x17: {  	[smem:s0+$0x8] =	sst s9  }
0x18: {  	[smem:s0+$0x9] =	sst s10  }
0x19: {  	[smem:s0+$0xA] =	sst s11  }
0x1a: {  	[smem:s0+$0xB] =	sst s12  }
0x1b: {  	[smem:s0+$0xC] =	sst s13;
	_ =	shalt  }
.Lfunc_end2:
execute0_lowered:
.L_overlay_start_2:
0x1c: {  	(tag) =	ssettag $0x2  }
0x1d: {  	s22 =	rddreg [dreg:$0x0]  }
0x1e: {  	s0 =	rddreg [dreg:$0x1]  }
0x1f: {  	s20 =	rddreg [dreg:$0x2]  }
0x20: {  	s19 =	rddreg [dreg:$0x3]  }
0x21: {  	s21 =	rddreg [dreg:$0x4]  }
0x22: {  	s5 =	rddreg [dreg:$0x5]  }
0x23: {  	s6 =	rddreg [dreg:$0x6]  }
0x24: {  	s7 =	rddreg [dreg:$0x7]  }
0x25: {  	s8 =	rddreg [dreg:$0x8]  }
0x26: {  	s9 =	rddreg [dreg:$0x9]  }
0x27: {  	s10 =	rddreg [dreg:$0xa]  }
0x28: {  	s4 =	rddreg [dreg:$0xb]  }
0x29: {  	s3 =	rddreg [dreg:$0xc]  }
0x2a: {  	s26 =	rddreg [dreg:$0xd]  }
0x2b: {  	s11 =	srdreg.scid;
	s1 =	simm.s32 $0x0;
	[dreg:$0xe] =	wrdreg s0  }
0x2c: {  	[dreg:$0xf] =	wrdreg s20;
	s0 =	stileid.u32;
	s11 =	sand.u32 $0x1, s11  }
0x2d: {  	[dreg:$0x10] =	wrdreg s21;
	s12 =	sshll.u32 s0, $0x7;
	s13 =	sshll.u32 s11, $0x6  }
0x2e: {  	[smem:$0x7FF] =	sst s1;
	s12 =	sor.u32 s13, s12  }
0x2f: {  	s21 =	sld [smem:$0x0];
	_ =	strace $0x80000047;
	s5 =	sadd.s32 s5, s12  }
0x30: {  	s23 =	sshll.u32 s0, $0xE;
	s24 =	sadd.s32 s6, s12;
	[dreg:$0x11] =	wrdreg s5  }
0x31: {  	s25 =	sshll.u32 s11, $0xD;
	s2 =	sadd.s32 s7, s12;
	[dreg:$0x12] =	wrdreg s24  }
0x32: {  	s6 =	sor.u32 s25, s23;
	s7 =	sadd.s32 s8, s12;
	[dreg:$0x13] =	wrdreg s2  }
0x33: {  	s8 =	sadd.s32 s9, s12;
	s6 =	sadd.s32 s6, s10;
	[dreg:$0x14] =	wrdreg s7  }
0x34: {  	[dreg:$0x15] =	wrdreg s8;
	s9 =	sadd.s32 $0xC00, s6  }
0x35: {  	s10 =	sadd.s32 $0x1400, s6;
	[dreg:$0x16] =	wrdreg s9  }
0x36: {  	s12 =	sadd.s32 $0x1C00, s6;
	[dreg:$0x17] =	wrdreg s10  }
0x37: {  	s13 =	sadd.s32 $0x2400, s6;
	[dreg:$0x18] =	wrdreg s12  }
0x38: {  	s14 =	sadd.s32 $0xC0C00, s6;
	[dreg:$0x19] =	wrdreg s13  }
0x39: {  	s15 =	sadd.s32 $0xC1400, s6;
	[dreg:$0x1a] =	wrdreg s14  }
0x3a: {  	s16 =	sadd.s32 $0xC1C00, s6;
	[dreg:$0x1b] =	wrdreg s15  }
0x3b: {  	s17 =	sadd.s32 $0xC2400, s6;
	[dreg:$0x1c] =	wrdreg s16  }
0x3c: {  	s18 =	sadd.s32 $0x40C00, s6;
	[dreg:$0x1d] =	wrdreg s17  }
0x3d: {  	s31 =	simm.s32 $0x200;
	s23 =	sadd.s32 $0x41C00, s6;
	[dreg:$0x1e] =	wrdreg s18  }
0x3e: {  	s30 =	simm.s32 $0x400;
	s24 =	sadd.s32 $0x42400, s6;
	[smem:$0x7E7] =	sst s23  }
0x3f: {  	s28 =	simm.s32 $0x600;
	s25 =	sadd.s32 $0x80C00, s6;
	[smem:$0x7E8] =	sst s24  }
0x40: {  	p1 =	por $0x0, $0x0;
	s2 =	sadd.s32 $0x81400, s6;
	[smem:$0x7E9] =	sst s25  }
0x41: {  	s11 =	ssub.s32 $0x2, s11;
	s7 =	sadd.s32 $0x81C00, s6;
	[smem:$0x7EA] =	sst s2  }
0x42: {  	p0 =	sne.s32 s0, $0x0;
	s8 =	sadd.s32 $0x82400, s6;
	[smem:$0x7EB] =	sst s7  }
0x43: {  	s29 =	sshrl.u32 @!p0 s3, $0x3;
	s20 =	sadd.s32 $0x41400, s6;
	[smem:$0x7EC] =	sst s8  }
0x44: {  	[dreg:$0x1f] =	wrdreg s20;
	s9 =	sadd.s32 $0x100C00, s6;
	s10 =	sadd.s32 $0x101400, s6  }
0x45: {  	s5 =	simm.s32 $0x80;
	s12 =	sadd.s32 $0x101C00, s6;
	[smem:$0x7ED] =	sst s9  }
0x46: {  	s13 =	sshrl.u32 s11, $0x1;
	s14 =	sadd.s32 $0x102400, s6;
	[smem:$0x7EE] =	sst s10  }
0x47: {  	s18 =	simm.s32 $0x800;
	s25 =	simm.s32 $0x1;
	[smem:$0x7EF] =	sst s12  }
0x48: {  	s16 =	simm.s32 $0x100;
	s17 =	simm.s32 $0x180;
	[smem:$0x7F0] =	sst s14  }
0x49: {  	s8 =	simm.s32 $0x4A00;
	s20 =	simm.s32 $0x680;
	[smem:$0x7F1] =	sst s16  }
0x4a: {  	s23 =	simm.s32 $0x700;
	s6 =	simm.s32 $0x8A00;
	[smem:$0x7F2] =	sst s17  }
0x4b: {  	s24 =	simm.s32 $0x780;
	s2 =	simm.s32 $0x280;
	[smem:$0x7F3] =	sst s20  }
0x4c: {  	s7 =	simm.s32 $0xCA00;
	s15 =	ssub.s32 s11, s13;
	[smem:$0x7F4] =	sst s23  }
0x4d: {  	s12 =	simm.s32 $0xA00;
	s17 =	simm.s32 $0x3;
	[smem:$0x7F5] =	sst s24  }
0x4e: {  	s16 =	simm.s32 $0x4;
	[smem:$0x7F6] =	sst s2;
	s9 =	simm.s32 $0x300  }
0x4f: {  	s13 =	simm.s32 $0x5;
	s10 =	simm.s32 $0x380;
	s11 =	simm.s32 $0x480  }
0x50: {  	s14 =	simm.s32 $0x6;
	s15 =	smax.u32 s15, $0x1;
	[smem:$0x7F7] =	sst s9  }
0x51: {  	s20 =	simm.s32 $0x500;
	[smem:$0x7F8] =	sst s10;
	s0 =	sadd.s32 $0xFFFFFFFF, s15  }
0x52: {  	s23 =	simm.s32 $0x580;
	[smem:$0x7F9] =	sst s11;
	p2 =	sne.s32 s0, $0x0  }
.Ltmp0:
0x53: {  	s24 =	simm.s32 $0x880;
	[smem:$0x7FA] =	sst s20;
	(pc) =	sbr.rel @!p2 .LBB3_5-.Ltmp0, $4  }
0x54: {  	s2 =	sshrl.u32 @!p0 s4, $0x3;
	s9 =	simm.s32 $0x7;
	[smem:$0x7FB] =	sst s23  }
0x55: {  	s10 =	simm.s32 $0x8;
	[smem:$0x7FC] =	sst s24;
	s20 =	simm.s32 $0x900  }
0x56: {  	s11 =	simm.s32 $0x9;
	s24 =	simm.s32 $0x980;
	[smem:$0x7FD] =	sst s20  }
0x57: {  	s23 =	sshrl.u32 @!p0 s26, $0x3;
	s15 =	simm.s32 $0xA;
	s20 =	rddreg [dreg:$0x11]  }
0x58: {  	[smem:$0x7E4] =	sst s21  }
0x59: {  	s31 =	rddreg [dreg:$0xe]  }
0x5a: {  	s30 =	rddreg [dreg:$0x12]  }
0x5b: {  	[tilespmem:s1], [sflag:$0x1] =	stream.linear.gather [hbm4b:s20+s1], $0x200, $0x38;
	[tilespmem:$0x167C0] =	vst v63  }
0x5c: {  	s28 =	smov.u32 s2;
	s2 =	simm.s32 $0x200;
	s20 =	rddreg [dreg:$0x13]  }
0x5d: {  	[tilespmem:s2], [sflag:$0x1] =	stream.linear.gather [hbm4b:s30+s1], $0x200, $0x38;
	[tilespmem:$0x167C0] =	vst v63  }
0x5e: {  	s21 =	simm.s32 $0x400;
	[smem:$0x7E5] =	sst s28  }
0x5f: {  	[tilespmem:s21], [sflag:$0x1] =	stream.linear.gather [hbm4b:s20+s1], $0x200, $0x38;
	[tilespmem:$0x167C0] =	vst v63  }
0x60: {  	s24 =	simm.s32 $0x600;
	s30 =	rddreg [dreg:$0x14]  }
0x61: {  	[tilespmem:s24], [sflag:$0x1] =	stream.linear.gather [hbm4b:s30+s1], $0x200, $0x38;
	[tilespmem:$0x167C0] =	vst v63  }
0x62: {  	s20 =	rddreg [dreg:$0x15];
	s30 =	simm.s32 @!p0 $0x1C02  }
0x63: {  	[tilespmem:s18], [sflag:$0x1] =	stream.linear.gather [hbm4b:s20+s1], $0x200, $0x38;
	[tilespmem:$0x167C0] =	vst v63  }
0x64: {  	[spmem:s28], [sflag:s30] =	dma.local @!p0 [hbm:s31], $0x3E80  }
0x65: {  	[smem:$0x7E6] =	sst s29  }
0x66: {  	s20 =	rddreg [dreg:$0xf]  }
0x67: {  	[spmem:s29], [sflag:s30] =	dma.local @!p0 [hbm:s20], $0x3E80  }
0x68: {  	s20 =	rddreg [dreg:$0x10]  }
0x69: {  	[spmem:s23], [sflag:s30] =	dma.local @!p0 [hbm:s20], $0x3E80  }
0x6a: {  	_ =	swait.ge [sflag:s25], $0x200  }
0x6b: {  	[sflag:s25] =	ssyncset.done $0x0  }
0x6c: {  	[sflag:s25] =	ssyncadd.s32 $0xFFFFFE00  }
0x6d: {  	_ =	swait.ge [sflag:s25], $0x200  }
0x6e: {  	[sflag:s25] =	ssyncset.done $0x0  }
0x6f: {  	[sflag:s25] =	ssyncadd.s32 $0xFFFFFE00  }
0x70: {  	_ =	swait.ge [sflag:s25], $0x200  }
0x71: {  	[sflag:s25] =	ssyncset.done $0x0  }
0x72: {  	[sflag:s25] =	ssyncadd.s32 $0xFFFFFE00  }
0x73: {  	_ =	swait.ge [sflag:s25], $0x200  }
0x74: {  	[sflag:s25] =	ssyncset.done $0x0  }
0x75: {  	[sflag:s25] =	ssyncadd.s32 $0xFFFFFE00  }
0x76: {  	_ =	swait.ge [sflag:s25], $0x200  }
0x77: {  	[sflag:s25] =	ssyncset.done $0x0  }
0x78: {  	[sflag:s25] =	ssyncadd.s32 $0xFFFFFE00  }
0x79: {  	[tilespmem:s12], [sflag:$0x3] =	stream.indirect.gather [hbm4b:s22+s5], $0x80, s1, s5, $0xb8;
	[tilespmem:$0x167C0] =	vst v63  }
0x7a: {  	_ = 	snop  }
0x7b: {  	[tilespmem:s8], [sflag:$0x4] =	stream.indirect.gather [hbm4b:s22+s5], $0x80, s5, s5, $0xb8;
	[tilespmem:$0x167C0] =	vst v63  }
0x7c: {  	_ =	swait.ge [sflag:s17], $0x4000  }
0x7d: {  	s28 =	rddreg [dreg:$0x16];
	[sflag:s17] =	ssyncset.done $0x0  }
0x7e: {  	s31 =	sld [smem:$0x7F1];
	[sflag:s17] =	ssyncadd.s32 $0xFFFFC000  }
0x7f: {  	[hbm4b:s28+s1] =	stream.linear.scatter [tilespmem:s12], [sflag:$0x7], $0x4000, $0x38;
	[tilespmem:$0x167C0] =	vst v63  }
0x80: {  	_ = 	snop  }
0x81: {  	[tilespmem:s6], [sflag:$0x5] =	stream.indirect.gather [hbm4b:s22+s5], $0x80, s31, s5, $0xb8;
	[tilespmem:$0x167C0] =	vst v63  }
0x82: {  	_ =	swait.ge [sflag:s16], $0x4000  }
0x83: {  	s29 =	smov.u32 s23;
	s23 =	rddreg [dreg:$0x17];
	[sflag:s16] =	ssyncset.done $0x0  }
0x84: {  	s31 =	sld [smem:$0x7F2];
	[sflag:s16] =	ssyncadd.s32 $0xFFFFC000  }
0x85: {  	[hbm4b:s23+s1] =	stream.linear.scatter [tilespmem:s8], [sflag:$0x8], $0x4000, $0x38;
	[tilespmem:$0x167C0] =	vst v63  }
0x86: {  	_ = 	snop  }
0x87: {  	[tilespmem:s7], [sflag:$0x6] =	stream.indirect.gather [hbm4b:s22+s5], $0x80, s31, s5, $0xb8;
	[tilespmem:$0x167C0] =	vst v63  }
0x88: {  	_ =	swait.ge [sflag:s13], $0x4000  }
0x89: {  	[sflag:s13] =	ssyncset.done $0x0  }
0x8a: {  	s28 =	rddreg [dreg:$0x18];
	[sflag:s13] =	ssyncadd.s32 $0xFFFFC000  }
0x8b: {  	[hbm4b:s28+s1] =	stream.linear.scatter [tilespmem:s6], [sflag:$0x9], $0x4000, $0x38;
	[tilespmem:$0x167C0] =	vst v63  }
0x8c: {  	_ =	swait.ge [sflag:s9], $0x4000  }
0x8d: {  	[sflag:s9] =	ssyncset.done $0x0  }
0x8e: {  	[sflag:s9] =	ssyncadd.s32 $0xFFFFC000  }
0x8f: {  	[tilespmem:s12], [sflag:$0x3] =	stream.indirect.gather [hbm4b:s19+s5], $0x80, s24, s5, $0xb8;
	[tilespmem:$0x167C0] =	vst v63  }
0x90: {  	_ =	swait.ge [sflag:s14], $0x4000  }
0x91: {  	[sflag:s14] =	ssyncset.done $0x0  }
0x92: {  	s23 =	rddreg [dreg:$0x19];
	[sflag:s14] =	ssyncadd.s32 $0xFFFFC000  }
0x93: {  	[hbm4b:s23+s1] =	stream.linear.scatter [tilespmem:s7], [sflag:$0xA], $0x4000, $0x38;
	[tilespmem:$0x167C0] =	vst v63  }
0x94: {  	_ =	swait.ge [sflag:s10], $0x4000  }
0x95: {  	s24 =	sld [smem:$0x7F3]  }
0x96: {  	[sflag:s10] =	ssyncset.done $0x0  }
0x97: {  	[sflag:s10] =	ssyncadd.s32 $0xFFFFC000  }
0x98: {  	[tilespmem:s8], [sflag:$0x4] =	stream.indirect.gather [hbm4b:s19+s5], $0x80, s24, s5, $0xb8;
	[tilespmem:$0x167C0] =	vst v63  }
0x99: {  	_ =	swait.ge [sflag:s17], $0x4000  }
0x9a: {  	[sflag:s17] =	ssyncset.done $0x0  }
0x9b: {  	s28 =	rddreg [dreg:$0x1a];
	[sflag:s17] =	ssyncadd.s32 $0xFFFFC000  }
0x9c: {  	[hbm4b:s28+s1] =	stream.linear.scatter [tilespmem:s12], [sflag:$0x7], $0x4000, $0x38;
	[tilespmem:$0x167C0] =	vst v63  }
0x9d: {  	_ =	swait.ge [sflag:s11], $0x4000  }
0x9e: {  	s23 =	sld [smem:$0x7F4]  }
0x9f: {  	[sflag:s11] =	ssyncset.done $0x0  }
0xa0: {  	[sflag:s11] =	ssyncadd.s32 $0xFFFFC000  }
0xa1: {  	[tilespmem:s6], [sflag:$0x5] =	stream.indirect.gather [hbm4b:s19+s5], $0x80, s23, s5, $0xb8;
	[tilespmem:$0x167C0] =	vst v63  }
0xa2: {  	_ =	swait.ge [sflag:s16], $0x4000  }
0xa3: {  	[sflag:s16] =	ssyncset.done $0x0  }
0xa4: {  	s24 =	rddreg [dreg:$0x1b];
	[sflag:s16] =	ssyncadd.s32 $0xFFFFC000  }
0xa5: {  	[hbm4b:s24+s1] =	stream.linear.scatter [tilespmem:s8], [sflag:$0x8], $0x4000, $0x38;
	[tilespmem:$0x167C0] =	vst v63  }
0xa6: {  	_ =	swait.ge [sflag:s15], $0x4000  }
0xa7: {  	s28 =	sld [smem:$0x7F5]  }
0xa8: {  	[sflag:s15] =	ssyncset.done $0x0  }
0xa9: {  	[sflag:s15] =	ssyncadd.s32 $0xFFFFC000  }
0xaa: {  	[tilespmem:s7], [sflag:$0x6] =	stream.indirect.gather [hbm4b:s19+s5], $0x80, s28, s5, $0xb8;
	[tilespmem:$0x167C0] =	vst v63  }
0xab: {  	_ =	swait.ge [sflag:s13], $0x4000  }
0xac: {  	[sflag:s13] =	ssyncset.done $0x0  }
0xad: {  	s31 =	simm.s32 @!p0 $0x2;
	s23 =	rddreg [dreg:$0x1c];
	[sflag:s13] =	ssyncadd.s32 $0xFFFFC000  }
0xae: {  	[hbm4b:s23+s1] =	stream.linear.scatter [tilespmem:s6], [sflag:$0x9], $0x4000, $0x38;
	[tilespmem:$0x167C0] =	vst v63  }
0xaf: {  	_ =	swait.ge @!p0 [sflag:s31], $0x3E80  }
0xb0: {  	[sflag:s31] =	ssyncset.done @!p0 $0x0  }
0xb1: {  	[sflag:s31] =	ssyncadd.s32 @!p0 $0xFFFFC180  }
0xb2: {  	_ =	swait.ge @!p0 [sflag:s31], $0x3E80  }
0xb3: {  	[sflag:s31] =	ssyncset.done @!p0 $0x0  }
0xb4: {  	[sflag:s31] =	ssyncadd.s32 @!p0 $0xFFFFC180  }
0xb5: {  	_ =	swait.ge @!p0 [sflag:s31], $0x3E80  }
0xb6: {  	[sflag:s31] =	ssyncset.done @!p0 $0x0  }
0xb7: {  	[sflag:s31] =	ssyncadd.s32 @!p0 $0xFFFFC180  }
0xb8: {  	[bflag:$0x0] =	sbarrier.arrive $0xFFFF  }
0xb9: {  	_ =	swait.ge [sflag:s9], $0x4000  }
0xba: {  	[sflag:s9] =	ssyncset.done $0x0  }
0xbb: {  	[sflag:s9] =	ssyncadd.s32 $0xFFFFC000  }
0xbc: {  	[tilespmem:s12], [sflag:$0x3] =	stream.indirect.gather [spmem:s4], $0x80, s2, s5, $0xb8;
	[tilespmem:$0x167C0] =	vst v63  }
0xbd: {  	_ =	swait.ge [sflag:s14], $0x4000  }
0xbe: {  	[sflag:s14] =	ssyncset.done $0x0  }
0xbf: {  	s24 =	rddreg [dreg:$0x1d];
	[sflag:s14] =	ssyncadd.s32 $0xFFFFC000  }
0xc0: {  	[hbm4b:s24+s1] =	stream.linear.scatter [tilespmem:s7], [sflag:$0xA], $0x4000, $0x38;
	[tilespmem:$0x167C0] =	vst v63  }
0xc1: {  	_ =	swait.ge [sflag:s10], $0x4000  }
0xc2: {  	s28 =	sld [smem:$0x7F6]  }
0xc3: {  	[sflag:s10] =	ssyncset.done $0x0  }
0xc4: {  	[sflag:s10] =	ssyncadd.s32 $0xFFFFC000  }
0xc5: {  	[tilespmem:s8], [sflag:$0x4] =	stream.indirect.gather [spmem:s4], $0x80, s28, s5, $0xb8;
	[tilespmem:$0x167C0] =	vst v63  }
0xc6: {  	_ =	swait.ge [sflag:s17], $0x4000  }
0xc7: {  	[sflag:s17] =	ssyncset.done $0x0  }
0xc8: {  	s2 =	rddreg [dreg:$0x1e];
	[sflag:s17] =	ssyncadd.s32 $0xFFFFC000  }
0xc9: {  	[hbm4b:s2+s1] =	stream.linear.scatter [tilespmem:s12], [sflag:$0x7], $0x4000, $0x38;
	[tilespmem:$0x167C0] =	vst v63  }
0xca: {  	_ =	swait.ge [sflag:s11], $0x4000  }
0xcb: {  	s23 =	sld [smem:$0x7F7]  }
0xcc: {  	[sflag:s11] =	ssyncset.done $0x0  }
0xcd: {  	[sflag:s11] =	ssyncadd.s32 $0xFFFFC000  }
0xce: {  	[tilespmem:s6], [sflag:$0x5] =	stream.indirect.gather [spmem:s4], $0x80, s23, s5, $0xb8;
	[tilespmem:$0x167C0] =	vst v63  }
0xcf: {  	_ =	swait.ge [sflag:s16], $0x4000  }
0xd0: {  	[sflag:s16] =	ssyncset.done $0x0  }
0xd1: {  	s24 =	rddreg [dreg:$0x1f];
	[sflag:s16] =	ssyncadd.s32 $0xFFFFC000  }
0xd2: {  	[hbm4b:s24+s1] =	stream.linear.scatter [tilespmem:s8], [sflag:$0x8], $0x4000, $0x38;
	[tilespmem:$0x167C0] =	vst v63  }
0xd3: {  	_ =	swait.ge [sflag:s15], $0x4000  }
0xd4: {  	s28 =	sld [smem:$0x7F8]  }
0xd5: {  	[sflag:s15] =	ssyncset.done $0x0  }
0xd6: {  	[sflag:s15] =	ssyncadd.s32 $0xFFFFC000  }
0xd7: {  	[tilespmem:s7], [sflag:$0x6] =	stream.indirect.gather [spmem:s4], $0x80, s28, s5, $0xb8;
	[tilespmem:$0x167C0] =	vst v63  }
0xd8: {  	_ =	swait.ge [sflag:s13], $0x4000  }
0xd9: {  	s2 =	sld [smem:$0x7E7]  }
0xda: {  	[sflag:s13] =	ssyncset.done $0x0  }
0xdb: {  	[sflag:s13] =	ssyncadd.s32 $0xFFFFC000  }
0xdc: {  	[hbm4b:s2+s1] =	stream.linear.scatter [tilespmem:s6], [sflag:$0x9], $0x4000, $0x38;
	[tilespmem:$0x167C0] =	vst v63  }
0xdd: {  	_ =	swait.ge [sflag:s9], $0x4000  }
0xde: {  	[sflag:s9] =	ssyncset.done $0x0  }
0xdf: {  	[sflag:s9] =	ssyncadd.s32 $0xFFFFC000  }
0xe0: {  	[tilespmem:s12], [sflag:$0x3] =	stream.indirect.gather [spmem:s3], $0x80, s21, s5, $0xb8;
	[tilespmem:$0x167C0] =	vst v63  }
0xe1: {  	_ =	swait.ge [sflag:s14], $0x4000  }
0xe2: {  	s21 =	sld [smem:$0x7E8]  }
0xe3: {  	[sflag:s14] =	ssyncset.done $0x0  }
0xe4: {  	[sflag:s14] =	ssyncadd.s32 $0xFFFFC000  }
0xe5: {  	[hbm4b:s21+s1] =	stream.linear.scatter [tilespmem:s7], [sflag:$0xA], $0x4000, $0x38;
	[tilespmem:$0x167C0] =	vst v63  }
0xe6: {  	_ =	swait.ge [sflag:s10], $0x4000  }
0xe7: {  	s23 =	sld [smem:$0x7F9]  }
0xe8: {  	[sflag:s10] =	ssyncset.done $0x0  }
0xe9: {  	[sflag:s10] =	ssyncadd.s32 $0xFFFFC000  }
0xea: {  	[tilespmem:s8], [sflag:$0x4] =	stream.indirect.gather [spmem:s3], $0x80, s23, s5, $0xb8;
	[tilespmem:$0x167C0] =	vst v63  }
0xeb: {  	_ =	swait.ge [sflag:s17], $0x4000  }
0xec: {  	s24 =	sld [smem:$0x7E9]  }
0xed: {  	[sflag:s17] =	ssyncset.done $0x0  }
0xee: {  	[sflag:s17] =	ssyncadd.s32 $0xFFFFC000  }
0xef: {  	[hbm4b:s24+s1] =	stream.linear.scatter [tilespmem:s12], [sflag:$0x7], $0x4000, $0x38;
	[tilespmem:$0x167C0] =	vst v63  }
0xf0: {  	_ =	swait.ge [sflag:s11], $0x4000  }
0xf1: {  	s28 =	sld [smem:$0x7FA]  }
0xf2: {  	[sflag:s11] =	ssyncset.done $0x0  }
0xf3: {  	[sflag:s11] =	ssyncadd.s32 $0xFFFFC000  }
0xf4: {  	[tilespmem:s6], [sflag:$0x5] =	stream.indirect.gather [spmem:s3], $0x80, s28, s5, $0xb8;
	[tilespmem:$0x167C0] =	vst v63  }
0xf5: {  	_ =	swait.ge [sflag:s16], $0x4000  }
0xf6: {  	s2 =	sld [smem:$0x7EA]  }
0xf7: {  	[sflag:s16] =	ssyncset.done $0x0  }
0xf8: {  	[sflag:s16] =	ssyncadd.s32 $0xFFFFC000  }
0xf9: {  	[hbm4b:s2+s1] =	stream.linear.scatter [tilespmem:s8], [sflag:$0x8], $0x4000, $0x38;
	[tilespmem:$0x167C0] =	vst v63  }
0xfa: {  	_ =	swait.ge [sflag:s15], $0x4000  }
0xfb: {  	s21 =	sld [smem:$0x7FB]  }
0xfc: {  	[sflag:s15] =	ssyncset.done $0x0  }
0xfd: {  	[sflag:s15] =	ssyncadd.s32 $0xFFFFC000  }
0xfe: {  	[tilespmem:s7], [sflag:$0x6] =	stream.indirect.gather [spmem:s3], $0x80, s21, s5, $0xb8;
	[tilespmem:$0x167C0] =	vst v63  }
0xff: {  	_ =	swait.ge [sflag:s13], $0x4000  }
0x100: {  	s23 =	sld [smem:$0x7EB]  }
0x101: {  	[sflag:s13] =	ssyncset.done $0x0  }
0x102: {  	[sflag:s13] =	ssyncadd.s32 $0xFFFFC000  }
0x103: {  	[hbm4b:s23+s1] =	stream.linear.scatter [tilespmem:s6], [sflag:$0x9], $0x4000, $0x38;
	[tilespmem:$0x167C0] =	vst v63  }
0x104: {  	_ =	swait.ge [sflag:s9], $0x4000  }
0x105: {  	[sflag:s9] =	ssyncset.done $0x0  }
0x106: {  	[sflag:s9] =	ssyncadd.s32 $0xFFFFC000  }
0x107: {  	[tilespmem:s12], [sflag:$0x3] =	stream.indirect.gather [spmem:s26], $0x80, s18, s5, $0xb8;
	[tilespmem:$0x167C0] =	vst v63  }
0x108: {  	_ =	swait.ge [sflag:s14], $0x4000  }
0x109: {  	s24 =	sld [smem:$0x7EC]  }
0x10a: {  	[sflag:s14] =	ssyncset.done $0x0  }
0x10b: {  	[sflag:s14] =	ssyncadd.s32 $0xFFFFC000  }
0x10c: {  	[hbm4b:s24+s1] =	stream.linear.scatter [tilespmem:s7], [sflag:$0xA], $0x4000, $0x38;
	[tilespmem:$0x167C0] =	vst v63  }
0x10d: {  	_ =	swait.ge [sflag:s10], $0x4000  }
0x10e: {  	s28 =	sld [smem:$0x7FC]  }
0x10f: {  	[sflag:s10] =	ssyncset.done $0x0  }
0x110: {  	[sflag:s10] =	ssyncadd.s32 $0xFFFFC000  }
0x111: {  	[tilespmem:s8], [sflag:$0x4] =	stream.indirect.gather [spmem:s26], $0x80, s28, s5, $0xb8;
	[tilespmem:$0x167C0] =	vst v63  }
0x112: {  	_ =	swait.ge [sflag:s17], $0x4000  }
0x113: {  	s2 =	sld [smem:$0x7ED]  }
0x114: {  	[sflag:s17] =	ssyncset.done $0x0  }
0x115: {  	[sflag:s17] =	ssyncadd.s32 $0xFFFFC000  }
0x116: {  	[hbm4b:s2+s1] =	stream.linear.scatter [tilespmem:s12], [sflag:$0x7], $0x4000, $0x38;
	[tilespmem:$0x167C0] =	vst v63  }
0x117: {  	_ =	swait.ge [sflag:s11], $0x4000  }
0x118: {  	s18 =	sld [smem:$0x7FD]  }
0x119: {  	[sflag:s11] =	ssyncset.done $0x0  }
0x11a: {  	[sflag:s11] =	ssyncadd.s32 $0xFFFFC000  }
0x11b: {  	[tilespmem:s6], [sflag:$0x5] =	stream.indirect.gather [spmem:s26], $0x80, s18, s5, $0xb8;
	[tilespmem:$0x167C0] =	vst v63  }
0x11c: {  	_ =	swait.ge [sflag:s16], $0x4000  }
0x11d: {  	s21 =	sld [smem:$0x7EE]  }
0x11e: {  	[sflag:s16] =	ssyncset.done $0x0  }
0x11f: {  	[sflag:s16] =	ssyncadd.s32 $0xFFFFC000  }
0x120: {  	[hbm4b:s21+s1] =	stream.linear.scatter [tilespmem:s8], [sflag:$0x8], $0x4000, $0x38;
	[tilespmem:$0x167C0] =	vst v63  }
0x121: {  	_ =	swait.ge [sflag:s15], $0x4000  }
0x122: {  	[sflag:s15] =	ssyncset.done $0x0  }
0x123: {  	s23 =	simm.s32 $0x980;
	[sflag:s15] =	ssyncadd.s32 $0xFFFFC000  }
0x124: {  	[tilespmem:s7], [sflag:$0x6] =	stream.indirect.gather [spmem:s26], $0x80, s23, s5, $0xb8;
	[tilespmem:$0x167C0] =	vst v63  }
0x125: {  	_ =	swait.ge [sflag:s13], $0x4000  }
0x126: {  	s24 =	sld [smem:$0x7EF]  }
0x127: {  	[sflag:s13] =	ssyncset.done $0x0  }
0x128: {  	[sflag:s13] =	ssyncadd.s32 $0xFFFFC000  }
0x129: {  	[hbm4b:s24+s1] =	stream.linear.scatter [tilespmem:s6], [sflag:$0x9], $0x4000, $0x38;
	[tilespmem:$0x167C0] =	vst v63  }
0x12a: {  	_ =	swait.ge [sflag:s14], $0x4000  }
0x12b: {  	s28 =	sld [smem:$0x7F0]  }
0x12c: {  	[sflag:s14] =	ssyncset.done $0x0  }
0x12d: {  	[sflag:s14] =	ssyncadd.s32 $0xFFFFC000  }
0x12e: {  	[hbm4b:s28+s1] =	stream.linear.scatter [tilespmem:s7], [sflag:$0xA], $0x4000, $0x38;
	[tilespmem:$0x167C0] =	vst v63  }
0x12f: {  	_ =	swait.ge [sflag:s9], $0x4000  }
0x130: {  	[sflag:s9] =	ssyncset.done $0x0  }
0x131: {  	[sflag:s9] =	ssyncadd.s32 $0xFFFFC000  }
0x132: {  	_ =	swait.ge [sflag:s10], $0x4000  }
0x133: {  	s0 =	sadd.s32 $0xFFFFFFFF, s0;
	[sflag:s10] =	ssyncset.done $0x0  }
0x134: {  	p2 =	sne.s32 s0, $0x0;
	[sflag:s10] =	ssyncadd.s32 $0xFFFFC000  }
.Ltmp1:
0x135: {  	_ =	swait.ge [sflag:s11], $0x4000;
	(pc) =	sbr.rel @!p2 .LBB3_6-.Ltmp1, $4  }
0x136: {  	[sflag:s11] =	ssyncset.done $0x0  }
0x137: {  	[sflag:s11] =	ssyncadd.s32 $0xFFFFC000  }
0x138: {  	p1 =	por $0x1, $0x1;
	_ =	swait.ge [sflag:s15], $0x4000  }
0x139: {  	s23 =	simm.s32 $0x800;
	s20 =	rddreg [dreg:$0x11];
	[sflag:s15] =	ssyncset.done $0x0  }
0x13a: {  	s28 =	simm.s32 $0x400;
	s24 =	simm.s32 $0x600  }
.LBB3_3:
0x13b: {  	[sflag:s15] =	ssyncadd.s32 $0xFFFFC000  }
0x13c: {  	[tilespmem:s1], [sflag:$0x1] =	stream.linear.gather [hbm4b:s20+s1], $0x200, $0x38;
	[tilespmem:$0x167C0] =	vst v63  }
0x13d: {  	s21 =	rddreg [dreg:$0x12];
	s2 =	simm.s32 $0x200  }
0x13e: {  	[tilespmem:s2], [sflag:$0x1] =	stream.linear.gather [hbm4b:s21+s1], $0x200, $0x38;
	[tilespmem:$0x167C0] =	vst v63  }
0x13f: {  	s20 =	rddreg [dreg:$0x13]  }
0x140: {  	[tilespmem:s28], [sflag:$0x1] =	stream.linear.gather [hbm4b:s20+s1], $0x200, $0x38;
	[tilespmem:$0x167C0] =	vst v63  }
0x141: {  	s21 =	rddreg [dreg:$0x14]  }
0x142: {  	[tilespmem:s24], [sflag:$0x1] =	stream.linear.gather [hbm4b:s21+s1], $0x200, $0x38;
	[tilespmem:$0x167C0] =	vst v63  }
0x143: {  	s20 =	rddreg [dreg:$0x15]  }
0x144: {  	[tilespmem:s23], [sflag:$0x1] =	stream.linear.gather [hbm4b:s20+s1], $0x200, $0x38;
	[tilespmem:$0x167C0] =	vst v63  }
0x145: {  	s20 =	sld [smem:$0x7E5];
	_ =	sdelay $0x1  }
0x146: {  	s18 =	rddreg [dreg:$0xe]  }
0x147: {  	[spmem:s20], [sflag:s30] =	dma.local @!p0 [hbm:s18], $0x3E80  }
0x148: {  	s20 =	sld [smem:$0x7E6];
	_ =	sdelay $0x1  }
0x149: {  	s18 =	rddreg [dreg:$0xf]  }
0x14a: {  	[spmem:s20], [sflag:s30] =	dma.local @!p0 [hbm:s18], $0x3E80  }
0x14b: {  	s18 =	rddreg [dreg:$0x10]  }
0x14c: {  	[spmem:s29], [sflag:s30] =	dma.local @!p0 [hbm:s18], $0x3E80  }
0x14d: {  	_ =	swait.ge [sflag:s25], $0x200  }
0x14e: {  	[sflag:s25] =	ssyncset.done $0x0  }
0x14f: {  	[sflag:s25] =	ssyncadd.s32 $0xFFFFFE00  }
0x150: {  	_ =	swait.ge [sflag:s25], $0x200  }
0x151: {  	[sflag:s25] =	ssyncset.done $0x0  }
0x152: {  	[sflag:s25] =	ssyncadd.s32 $0xFFFFFE00  }
0x153: {  	_ =	swait.ge [sflag:s25], $0x200  }
0x154: {  	[sflag:s25] =	ssyncset.done $0x0  }
0x155: {  	[sflag:s25] =	ssyncadd.s32 $0xFFFFFE00  }
0x156: {  	_ =	swait.ge [sflag:s25], $0x200  }
0x157: {  	[sflag:s25] =	ssyncset.done $0x0  }
0x158: {  	[sflag:s25] =	ssyncadd.s32 $0xFFFFFE00  }
0x159: {  	_ =	swait.ge [sflag:s25], $0x200  }
0x15a: {  	[sflag:s25] =	ssyncset.done $0x0  }
0x15b: {  	[sflag:s25] =	ssyncadd.s32 $0xFFFFFE00  }
0x15c: {  	[tilespmem:s12], [sflag:$0x3] =	stream.indirect.gather [hbm4b:s22+s5], $0x80, s1, s5, $0xb8;
	[tilespmem:$0x167C0] =	vst v63  }
0x15d: {  	_ = 	snop  }
0x15e: {  	[tilespmem:s8], [sflag:$0x4] =	stream.indirect.gather [hbm4b:s22+s5], $0x80, s5, s5, $0xb8;
	[tilespmem:$0x167C0] =	vst v63  }
0x15f: {  	_ =	swait.ge [sflag:s17], $0x4000  }
0x160: {  	s20 =	rddreg [dreg:$0x16];
	[sflag:s17] =	ssyncset.done $0x0  }
0x161: {  	s21 =	sld [smem:$0x7F1];
	[sflag:s17] =	ssyncadd.s32 $0xFFFFC000  }
0x162: {  	[hbm4b:s20+s1] =	stream.linear.scatter [tilespmem:s12], [sflag:$0x7], $0x4000, $0x38;
	[tilespmem:$0x167C0] =	vst v63  }
0x163: {  	_ = 	snop  }
0x164: {  	[tilespmem:s6], [sflag:$0x5] =	stream.indirect.gather [hbm4b:s22+s5], $0x80, s21, s5, $0xb8;
	[tilespmem:$0x167C0] =	vst v63  }
0x165: {  	_ =	swait.ge [sflag:s16], $0x4000  }
0x166: {  	s20 =	rddreg [dreg:$0x17];
	[sflag:s16] =	ssyncset.done $0x0  }
0x167: {  	s21 =	sld [smem:$0x7F2];
	[sflag:s16] =	ssyncadd.s32 $0xFFFFC000  }
0x168: {  	[hbm4b:s20+s1] =	stream.linear.scatter [tilespmem:s8], [sflag:$0x8], $0x4000, $0x38;
	[tilespmem:$0x167C0] =	vst v63  }
0x169: {  	_ = 	snop  }
0x16a: {  	[tilespmem:s7], [sflag:$0x6] =	stream.indirect.gather [hbm4b:s22+s5], $0x80, s21, s5, $0xb8;
	[tilespmem:$0x167C0] =	vst v63  }
0x16b: {  	_ =	swait.ge [sflag:s13], $0x4000  }
0x16c: {  	[sflag:s13] =	ssyncset.done $0x0  }
0x16d: {  	s20 =	rddreg [dreg:$0x18];
	[sflag:s13] =	ssyncadd.s32 $0xFFFFC000  }
0x16e: {  	[hbm4b:s20+s1] =	stream.linear.scatter [tilespmem:s6], [sflag:$0x9], $0x4000, $0x38;
	[tilespmem:$0x167C0] =	vst v63  }
0x16f: {  	_ =	swait.ge [sflag:s9], $0x4000  }
0x170: {  	[sflag:s9] =	ssyncset.done $0x0  }
0x171: {  	[sflag:s9] =	ssyncadd.s32 $0xFFFFC000  }
0x172: {  	[tilespmem:s12], [sflag:$0x3] =	stream.indirect.gather [hbm4b:s19+s5], $0x80, s24, s5, $0xb8;
	[tilespmem:$0x167C0] =	vst v63  }
0x173: {  	_ =	swait.ge [sflag:s14], $0x4000  }
0x174: {  	[sflag:s14] =	ssyncset.done $0x0  }
0x175: {  	s21 =	rddreg [dreg:$0x19];
	[sflag:s14] =	ssyncadd.s32 $0xFFFFC000  }
0x176: {  	[hbm4b:s21+s1] =	stream.linear.scatter [tilespmem:s7], [sflag:$0xA], $0x4000, $0x38;
	[tilespmem:$0x167C0] =	vst v63  }
0x177: {  	_ =	swait.ge [sflag:s10], $0x4000  }
0x178: {  	s20 =	sld [smem:$0x7F3]  }
0x179: {  	[sflag:s10] =	ssyncset.done $0x0  }
0x17a: {  	[sflag:s10] =	ssyncadd.s32 $0xFFFFC000  }
0x17b: {  	[tilespmem:s8], [sflag:$0x4] =	stream.indirect.gather [hbm4b:s19+s5], $0x80, s20, s5, $0xb8;
	[tilespmem:$0x167C0] =	vst v63  }
0x17c: {  	_ =	swait.ge [sflag:s17], $0x4000  }
0x17d: {  	[sflag:s17] =	ssyncset.done $0x0  }
0x17e: {  	s21 =	rddreg [dreg:$0x1a];
	[sflag:s17] =	ssyncadd.s32 $0xFFFFC000  }
0x17f: {  	[hbm4b:s21+s1] =	stream.linear.scatter [tilespmem:s12], [sflag:$0x7], $0x4000, $0x38;
	[tilespmem:$0x167C0] =	vst v63  }
0x180: {  	_ =	swait.ge [sflag:s11], $0x4000  }
0x181: {  	s20 =	sld [smem:$0x7F4]  }
0x182: {  	[sflag:s11] =	ssyncset.done $0x0  }
0x183: {  	[sflag:s11] =	ssyncadd.s32 $0xFFFFC000  }
0x184: {  	[tilespmem:s6], [sflag:$0x5] =	stream.indirect.gather [hbm4b:s19+s5], $0x80, s20, s5, $0xb8;
	[tilespmem:$0x167C0] =	vst v63  }
0x185: {  	_ =	swait.ge [sflag:s16], $0x4000  }
0x186: {  	[sflag:s16] =	ssyncset.done $0x0  }
0x187: {  	s21 =	rddreg [dreg:$0x1b];
	[sflag:s16] =	ssyncadd.s32 $0xFFFFC000  }
0x188: {  	[hbm4b:s21+s1] =	stream.linear.scatter [tilespmem:s8], [sflag:$0x8], $0x4000, $0x38;
	[tilespmem:$0x167C0] =	vst v63  }
0x189: {  	_ =	swait.ge [sflag:s15], $0x4000  }
0x18a: {  	s20 =	sld [smem:$0x7F5]  }
0x18b: {  	[sflag:s15] =	ssyncset.done $0x0  }
0x18c: {  	[sflag:s15] =	ssyncadd.s32 $0xFFFFC000  }
0x18d: {  	[tilespmem:s7], [sflag:$0x6] =	stream.indirect.gather [hbm4b:s19+s5], $0x80, s20, s5, $0xb8;
	[tilespmem:$0x167C0] =	vst v63  }
0x18e: {  	_ =	swait.ge [sflag:s13], $0x4000  }
0x18f: {  	[sflag:s13] =	ssyncset.done $0x0  }
0x190: {  	s21 =	rddreg [dreg:$0x1c];
	[sflag:s13] =	ssyncadd.s32 $0xFFFFC000  }
0x191: {  	[hbm4b:s21+s1] =	stream.linear.scatter [tilespmem:s6], [sflag:$0x9], $0x4000, $0x38;
	[tilespmem:$0x167C0] =	vst v63  }
0x192: {  	_ =	swait.ge @!p0 [sflag:s31], $0x3E80  }
0x193: {  	[sflag:s31] =	ssyncset.done @!p0 $0x0  }
0x194: {  	[sflag:s31] =	ssyncadd.s32 @!p0 $0xFFFFC180  }
0x195: {  	_ =	swait.ge @!p0 [sflag:s31], $0x3E80  }
0x196: {  	[sflag:s31] =	ssyncset.done @!p0 $0x0  }
0x197: {  	[sflag:s31] =	ssyncadd.s32 @!p0 $0xFFFFC180  }
0x198: {  	_ =	swait.ge @!p0 [sflag:s31], $0x3E80  }
0x199: {  	[sflag:s31] =	ssyncset.done @!p0 $0x0  }
0x19a: {  	[sflag:s31] =	ssyncadd.s32 @!p0 $0xFFFFC180  }
0x19b: {  	[bflag:$0x0] =	sbarrier.arrive $0xFFFF  }
0x19c: {  	_ =	swait.ge [sflag:s9], $0x4000  }
0x19d: {  	[sflag:s9] =	ssyncset.done $0x0  }
0x19e: {  	[sflag:s9] =	ssyncadd.s32 $0xFFFFC000  }
0x19f: {  	[tilespmem:s12], [sflag:$0x3] =	stream.indirect.gather [spmem:s4], $0x80, s2, s5, $0xb8;
	[tilespmem:$0x167C0] =	vst v63  }
0x1a0: {  	_ =	swait.ge [sflag:s14], $0x4000  }
0x1a1: {  	[sflag:s14] =	ssyncset.done $0x0  }
0x1a2: {  	s2 =	rddreg [dreg:$0x1d];
	[sflag:s14] =	ssyncadd.s32 $0xFFFFC000  }
0x1a3: {  	[hbm4b:s2+s1] =	stream.linear.scatter [tilespmem:s7], [sflag:$0xA], $0x4000, $0x38;
	[tilespmem:$0x167C0] =	vst v63  }
0x1a4: {  	_ =	swait.ge [sflag:s10], $0x4000  }
0x1a5: {  	s20 =	sld [smem:$0x7F6]  }
0x1a6: {  	[sflag:s10] =	ssyncset.done $0x0  }
0x1a7: {  	[sflag:s10] =	ssyncadd.s32 $0xFFFFC000  }
0x1a8: {  	[tilespmem:s8], [sflag:$0x4] =	stream.indirect.gather [spmem:s4], $0x80, s20, s5, $0xb8;
	[tilespmem:$0x167C0] =	vst v63  }
0x1a9: {  	_ =	swait.ge [sflag:s17], $0x4000  }
0x1aa: {  	[sflag:s17] =	ssyncset.done $0x0  }
0x1ab: {  	s21 =	rddreg [dreg:$0x1e];
	[sflag:s17] =	ssyncadd.s32 $0xFFFFC000  }
0x1ac: {  	[hbm4b:s21+s1] =	stream.linear.scatter [tilespmem:s12], [sflag:$0x7], $0x4000, $0x38;
	[tilespmem:$0x167C0] =	vst v63  }
0x1ad: {  	_ =	swait.ge [sflag:s11], $0x4000  }
0x1ae: {  	s2 =	sld [smem:$0x7F7]  }
0x1af: {  	[sflag:s11] =	ssyncset.done $0x0  }
0x1b0: {  	[sflag:s11] =	ssyncadd.s32 $0xFFFFC000  }
0x1b1: {  	[tilespmem:s6], [sflag:$0x5] =	stream.indirect.gather [spmem:s4], $0x80, s2, s5, $0xb8;
	[tilespmem:$0x167C0] =	vst v63  }
0x1b2: {  	_ =	swait.ge [sflag:s16], $0x4000  }
0x1b3: {  	[sflag:s16] =	ssyncset.done $0x0  }
0x1b4: {  	s20 =	rddreg [dreg:$0x1f];
	[sflag:s16] =	ssyncadd.s32 $0xFFFFC000  }
0x1b5: {  	[hbm4b:s20+s1] =	stream.linear.scatter [tilespmem:s8], [sflag:$0x8], $0x4000, $0x38;
	[tilespmem:$0x167C0] =	vst v63  }
0x1b6: {  	_ =	swait.ge [sflag:s15], $0x4000  }
0x1b7: {  	s21 =	sld [smem:$0x7F8]  }
0x1b8: {  	[sflag:s15] =	ssyncset.done $0x0  }
0x1b9: {  	[sflag:s15] =	ssyncadd.s32 $0xFFFFC000  }
0x1ba: {  	[tilespmem:s7], [sflag:$0x6] =	stream.indirect.gather [spmem:s4], $0x80, s21, s5, $0xb8;
	[tilespmem:$0x167C0] =	vst v63  }
0x1bb: {  	_ =	swait.ge [sflag:s13], $0x4000  }
0x1bc: {  	s2 =	sld [smem:$0x7E7]  }
0x1bd: {  	[sflag:s13] =	ssyncset.done $0x0  }
0x1be: {  	[sflag:s13] =	ssyncadd.s32 $0xFFFFC000  }
0x1bf: {  	[hbm4b:s2+s1] =	stream.linear.scatter [tilespmem:s6], [sflag:$0x9], $0x4000, $0x38;
	[tilespmem:$0x167C0] =	vst v63  }
0x1c0: {  	_ =	swait.ge [sflag:s9], $0x4000  }
0x1c1: {  	[sflag:s9] =	ssyncset.done $0x0  }
0x1c2: {  	[sflag:s9] =	ssyncadd.s32 $0xFFFFC000  }
0x1c3: {  	[tilespmem:s12], [sflag:$0x3] =	stream.indirect.gather [spmem:s3], $0x80, s28, s5, $0xb8;
	[tilespmem:$0x167C0] =	vst v63  }
0x1c4: {  	_ =	swait.ge [sflag:s14], $0x4000  }
0x1c5: {  	s20 =	sld [smem:$0x7E8]  }
0x1c6: {  	[sflag:s14] =	ssyncset.done $0x0  }
0x1c7: {  	[sflag:s14] =	ssyncadd.s32 $0xFFFFC000  }
0x1c8: {  	[hbm4b:s20+s1] =	stream.linear.scatter [tilespmem:s7], [sflag:$0xA], $0x4000, $0x38;
	[tilespmem:$0x167C0] =	vst v63  }
0x1c9: {  	_ =	swait.ge [sflag:s10], $0x4000  }
0x1ca: {  	s21 =	sld [smem:$0x7F9]  }
0x1cb: {  	[sflag:s10] =	ssyncset.done $0x0  }
0x1cc: {  	[sflag:s10] =	ssyncadd.s32 $0xFFFFC000  }
0x1cd: {  	[tilespmem:s8], [sflag:$0x4] =	stream.indirect.gather [spmem:s3], $0x80, s21, s5, $0xb8;
	[tilespmem:$0x167C0] =	vst v63  }
0x1ce: {  	_ =	swait.ge [sflag:s17], $0x4000  }
0x1cf: {  	s2 =	sld [smem:$0x7E9]  }
0x1d0: {  	[sflag:s17] =	ssyncset.done $0x0  }
0x1d1: {  	[sflag:s17] =	ssyncadd.s32 $0xFFFFC000  }
0x1d2: {  	[hbm4b:s2+s1] =	stream.linear.scatter [tilespmem:s12], [sflag:$0x7], $0x4000, $0x38;
	[tilespmem:$0x167C0] =	vst v63  }
0x1d3: {  	_ =	swait.ge [sflag:s11], $0x4000  }
0x1d4: {  	s20 =	sld [smem:$0x7FA]  }
0x1d5: {  	[sflag:s11] =	ssyncset.done $0x0  }
0x1d6: {  	[sflag:s11] =	ssyncadd.s32 $0xFFFFC000  }
0x1d7: {  	[tilespmem:s6], [sflag:$0x5] =	stream.indirect.gather [spmem:s3], $0x80, s20, s5, $0xb8;
	[tilespmem:$0x167C0] =	vst v63  }
0x1d8: {  	_ =	swait.ge [sflag:s16], $0x4000  }
0x1d9: {  	s21 =	sld [smem:$0x7EA]  }
0x1da: {  	[sflag:s16] =	ssyncset.done $0x0  }
0x1db: {  	[sflag:s16] =	ssyncadd.s32 $0xFFFFC000  }
0x1dc: {  	[hbm4b:s21+s1] =	stream.linear.scatter [tilespmem:s8], [sflag:$0x8], $0x4000, $0x38;
	[tilespmem:$0x167C0] =	vst v63  }
0x1dd: {  	_ =	swait.ge [sflag:s15], $0x4000  }
0x1de: {  	s2 =	sld [smem:$0x7FB]  }
0x1df: {  	[sflag:s15] =	ssyncset.done $0x0  }
0x1e0: {  	[sflag:s15] =	ssyncadd.s32 $0xFFFFC000  }
0x1e1: {  	[tilespmem:s7], [sflag:$0x6] =	stream.indirect.gather [spmem:s3], $0x80, s2, s5, $0xb8;
	[tilespmem:$0x167C0] =	vst v63  }
0x1e2: {  	_ =	swait.ge [sflag:s13], $0x4000  }
0x1e3: {  	s20 =	sld [smem:$0x7EB]  }
0x1e4: {  	[sflag:s13] =	ssyncset.done $0x0  }
0x1e5: {  	[sflag:s13] =	ssyncadd.s32 $0xFFFFC000  }
0x1e6: {  	[hbm4b:s20+s1] =	stream.linear.scatter [tilespmem:s6], [sflag:$0x9], $0x4000, $0x38;
	[tilespmem:$0x167C0] =	vst v63  }
0x1e7: {  	_ =	swait.ge [sflag:s9], $0x4000  }
0x1e8: {  	[sflag:s9] =	ssyncset.done $0x0  }
0x1e9: {  	[sflag:s9] =	ssyncadd.s32 $0xFFFFC000  }
0x1ea: {  	[tilespmem:s12], [sflag:$0x3] =	stream.indirect.gather [spmem:s26], $0x80, s23, s5, $0xb8;
	[tilespmem:$0x167C0] =	vst v63  }
0x1eb: {  	_ =	swait.ge [sflag:s14], $0x4000  }
0x1ec: {  	s21 =	sld [smem:$0x7EC]  }
0x1ed: {  	[sflag:s14] =	ssyncset.done $0x0  }
0x1ee: {  	[sflag:s14] =	ssyncadd.s32 $0xFFFFC000  }
0x1ef: {  	[hbm4b:s21+s1] =	stream.linear.scatter [tilespmem:s7], [sflag:$0xA], $0x4000, $0x38;
	[tilespmem:$0x167C0] =	vst v63  }
0x1f0: {  	_ =	swait.ge [sflag:s10], $0x4000  }
0x1f1: {  	s2 =	sld [smem:$0x7FC]  }
0x1f2: {  	[sflag:s10] =	ssyncset.done $0x0  }
0x1f3: {  	[sflag:s10] =	ssyncadd.s32 $0xFFFFC000  }
0x1f4: {  	[tilespmem:s8], [sflag:$0x4] =	stream.indirect.gather [spmem:s26], $0x80, s2, s5, $0xb8;
	[tilespmem:$0x167C0] =	vst v63  }
0x1f5: {  	_ =	swait.ge [sflag:s17], $0x4000  }
0x1f6: {  	s20 =	sld [smem:$0x7ED]  }
0x1f7: {  	[sflag:s17] =	ssyncset.done $0x0  }
0x1f8: {  	[sflag:s17] =	ssyncadd.s32 $0xFFFFC000  }
0x1f9: {  	[hbm4b:s20+s1] =	stream.linear.scatter [tilespmem:s12], [sflag:$0x7], $0x4000, $0x38;
	[tilespmem:$0x167C0] =	vst v63  }
0x1fa: {  	_ =	swait.ge [sflag:s11], $0x4000  }
0x1fb: {  	s21 =	sld [smem:$0x7FD]  }
0x1fc: {  	[sflag:s11] =	ssyncset.done $0x0  }
0x1fd: {  	[sflag:s11] =	ssyncadd.s32 $0xFFFFC000  }
0x1fe: {  	[tilespmem:s6], [sflag:$0x5] =	stream.indirect.gather [spmem:s26], $0x80, s21, s5, $0xb8;
	[tilespmem:$0x167C0] =	vst v63  }
0x1ff: {  	_ =	swait.ge [sflag:s16], $0x4000  }
0x200: {  	s2 =	sld [smem:$0x7EE]  }
0x201: {  	[sflag:s16] =	ssyncset.done $0x0  }
0x202: {  	[sflag:s16] =	ssyncadd.s32 $0xFFFFC000  }
0x203: {  	[hbm4b:s2+s1] =	stream.linear.scatter [tilespmem:s8], [sflag:$0x8], $0x4000, $0x38;
	[tilespmem:$0x167C0] =	vst v63  }
0x204: {  	_ =	swait.ge [sflag:s15], $0x4000  }
0x205: {  	[sflag:s15] =	ssyncset.done $0x0  }
0x206: {  	s18 =	simm.s32 $0x980;
	[sflag:s15] =	ssyncadd.s32 $0xFFFFC000  }
0x207: {  	[tilespmem:s7], [sflag:$0x6] =	stream.indirect.gather [spmem:s26], $0x80, s18, s5, $0xb8;
	[tilespmem:$0x167C0] =	vst v63  }
0x208: {  	_ =	swait.ge [sflag:s13], $0x4000  }
0x209: {  	s20 =	sld [smem:$0x7EF]  }
0x20a: {  	[sflag:s13] =	ssyncset.done $0x0  }
0x20b: {  	[sflag:s13] =	ssyncadd.s32 $0xFFFFC000  }
0x20c: {  	[hbm4b:s20+s1] =	stream.linear.scatter [tilespmem:s6], [sflag:$0x9], $0x4000, $0x38;
	[tilespmem:$0x167C0] =	vst v63  }
0x20d: {  	_ =	swait.ge [sflag:s14], $0x4000  }
0x20e: {  	s21 =	sld [smem:$0x7F0]  }
0x20f: {  	[sflag:s14] =	ssyncset.done $0x0  }
0x210: {  	[sflag:s14] =	ssyncadd.s32 $0xFFFFC000  }
0x211: {  	[hbm4b:s21+s1] =	stream.linear.scatter [tilespmem:s7], [sflag:$0xA], $0x4000, $0x38;
	[tilespmem:$0x167C0] =	vst v63  }
0x212: {  	_ =	swait.ge [sflag:s9], $0x4000  }
0x213: {  	[sflag:s9] =	ssyncset.done $0x0  }
0x214: {  	[sflag:s9] =	ssyncadd.s32 $0xFFFFC000  }
0x215: {  	_ =	swait.ge [sflag:s10], $0x4000  }
0x216: {  	s0 =	sadd.s32 $0xFFFFFFFF, s0;
	[sflag:s10] =	ssyncset.done $0x0  }
0x217: {  	p2 =	sne.s32 s0, $0x0;
	[sflag:s10] =	ssyncadd.s32 $0xFFFFC000  }
.Ltmp2:
0x218: {  	_ =	swait.ge [sflag:s11], $0x4000;
	(pc) =	sbr.rel @p2 .LBB3_3-.Ltmp2, $4  }
0x219: {  	[sflag:s11] =	ssyncset.done $0x0  }
0x21a: {  	[sflag:s11] =	ssyncadd.s32 $0xFFFFC000  }
0x21b: {  	_ =	swait.ge [sflag:s15], $0x4000  }
0x21c: {  	s20 =	rddreg [dreg:$0x11];
	[sflag:s15] =	ssyncset.done $0x0  }
0x21d: {  	s21 =	sld [smem:$0x7E4];
	s24 =	simm.s32 $0x980  }
0x21e: {  	s30 =	simm.s32 $0x400;
	s23 =	smov.u32 s29;
	s29 =	sld [smem:$0x7E6]  }
0x21f: {  	s31 =	simm.s32 $0x200;
	s28 =	simm.s32 $0x600;
	s2 =	sld [smem:$0x7E5]  }
.LBB3_5:
0x220: {  	[sflag:s15] =	ssyncadd.s32 @p1 $0xFFFFC000  }
0x221: {  	[tilespmem:s1], [sflag:$0x1] =	stream.linear.gather [hbm4b:s20+s1], $0x200, $0x38;
	[tilespmem:$0x167C0] =	vst v63  }
0x222: {  	s0 =	rddreg [dreg:$0x12]  }
0x223: {  	[tilespmem:s31], [sflag:$0x1] =	stream.linear.gather [hbm4b:s0+s1], $0x200, $0x38;
	[tilespmem:$0x167C0] =	vst v63  }
0x224: {  	s18 =	rddreg [dreg:$0x13]  }
0x225: {  	[tilespmem:s30], [sflag:$0x1] =	stream.linear.gather [hbm4b:s18+s1], $0x200, $0x38;
	[tilespmem:$0x167C0] =	vst v63  }
0x226: {  	s20 =	rddreg [dreg:$0x14]  }
0x227: {  	[tilespmem:s28], [sflag:$0x1] =	stream.linear.gather [hbm4b:s20+s1], $0x200, $0x38;
	[tilespmem:$0x167C0] =	vst v63  }
0x228: {  	s18 =	rddreg [dreg:$0x15];
	s20 =	simm.s32 $0x800  }
0x229: {  	[tilespmem:s20], [sflag:$0x1] =	stream.linear.gather [hbm4b:s18+s1], $0x200, $0x38;
	[tilespmem:$0x167C0] =	vst v63  }
0x22a: {  	s0 =	rddreg [dreg:$0xe];
	s18 =	simm.s32 @!p0 $0x1C02  }
0x22b: {  	[spmem:s2], [sflag:s18] =	dma.local @!p0 [hbm:s0], $0x3E80  }
0x22c: {  	s0 =	rddreg [dreg:$0xf]  }
0x22d: {  	[spmem:s29], [sflag:s18] =	dma.local @!p0 [hbm:s0], $0x3E80  }
0x22e: {  	s0 =	rddreg [dreg:$0x10]  }
0x22f: {  	[spmem:s23], [sflag:s18] =	dma.local @!p0 [hbm:s0], $0x3E80  }
0x230: {  	_ =	swait.ge [sflag:s25], $0x200  }
0x231: {  	[sflag:s25] =	ssyncset.done $0x0  }
0x232: {  	[sflag:s25] =	ssyncadd.s32 $0xFFFFFE00  }
0x233: {  	_ =	swait.ge [sflag:s25], $0x200  }
0x234: {  	[sflag:s25] =	ssyncset.done $0x0  }
0x235: {  	[sflag:s25] =	ssyncadd.s32 $0xFFFFFE00  }
0x236: {  	_ =	swait.ge [sflag:s25], $0x200  }
0x237: {  	[sflag:s25] =	ssyncset.done $0x0  }
0x238: {  	[sflag:s25] =	ssyncadd.s32 $0xFFFFFE00  }
0x239: {  	_ =	swait.ge [sflag:s25], $0x200  }
0x23a: {  	[sflag:s25] =	ssyncset.done $0x0  }
0x23b: {  	[sflag:s25] =	ssyncadd.s32 $0xFFFFFE00  }
0x23c: {  	_ =	swait.ge [sflag:s25], $0x200  }
0x23d: {  	[sflag:s25] =	ssyncset.done $0x0  }
0x23e: {  	[sflag:s25] =	ssyncadd.s32 $0xFFFFFE00  }
0x23f: {  	[tilespmem:s12], [sflag:$0x3] =	stream.indirect.gather [hbm4b:s22+s5], $0x80, s1, s5, $0xb8;
	[tilespmem:$0x167C0] =	vst v63  }
0x240: {  	_ = 	snop  }
0x241: {  	[tilespmem:s8], [sflag:$0x4] =	stream.indirect.gather [hbm4b:s22+s5], $0x80, s5, s5, $0xb8;
	[tilespmem:$0x167C0] =	vst v63  }
0x242: {  	_ =	swait.ge [sflag:s17], $0x4000  }
0x243: {  	s29 =	rddreg [dreg:$0x16];
	[sflag:s17] =	ssyncset.done $0x0  }
0x244: {  	s2 =	sld [smem:$0x7F1];
	[sflag:s17] =	ssyncadd.s32 $0xFFFFC000  }
0x245: {  	[hbm4b:s29+s1] =	stream.linear.scatter [tilespmem:s12], [sflag:$0x7], $0x4000, $0x38;
	[tilespmem:$0x167C0] =	vst v63  }
0x246: {  	_ = 	snop  }
0x247: {  	[tilespmem:s6], [sflag:$0x5] =	stream.indirect.gather [hbm4b:s22+s5], $0x80, s2, s5, $0xb8;
	[tilespmem:$0x167C0] =	vst v63  }
0x248: {  	_ =	swait.ge [sflag:s16], $0x4000  }
0x249: {  	s23 =	rddreg [dreg:$0x17];
	[sflag:s16] =	ssyncset.done $0x0  }
0x24a: {  	s25 =	sld [smem:$0x7F2];
	[sflag:s16] =	ssyncadd.s32 $0xFFFFC000  }
0x24b: {  	[hbm4b:s23+s1] =	stream.linear.scatter [tilespmem:s8], [sflag:$0x8], $0x4000, $0x38;
	[tilespmem:$0x167C0] =	vst v63  }
0x24c: {  	_ = 	snop  }
0x24d: {  	[tilespmem:s7], [sflag:$0x6] =	stream.indirect.gather [hbm4b:s22+s5], $0x80, s25, s5, $0xb8;
	[tilespmem:$0x167C0] =	vst v63  }
0x24e: {  	_ =	swait.ge [sflag:s13], $0x4000  }
0x24f: {  	[sflag:s13] =	ssyncset.done $0x0  }
0x250: {  	s29 =	rddreg [dreg:$0x18];
	[sflag:s13] =	ssyncadd.s32 $0xFFFFC000  }
0x251: {  	[hbm4b:s29+s1] =	stream.linear.scatter [tilespmem:s6], [sflag:$0x9], $0x4000, $0x38;
	[tilespmem:$0x167C0] =	vst v63  }
0x252: {  	_ =	swait.ge [sflag:s9], $0x4000  }
0x253: {  	[sflag:s9] =	ssyncset.done $0x0  }
0x254: {  	[sflag:s9] =	ssyncadd.s32 $0xFFFFC000  }
0x255: {  	[tilespmem:s12], [sflag:$0x3] =	stream.indirect.gather [hbm4b:s19+s5], $0x80, s28, s5, $0xb8;
	[tilespmem:$0x167C0] =	vst v63  }
0x256: {  	_ =	swait.ge [sflag:s14], $0x4000  }
0x257: {  	[sflag:s14] =	ssyncset.done $0x0  }
0x258: {  	s2 =	rddreg [dreg:$0x19];
	[sflag:s14] =	ssyncadd.s32 $0xFFFFC000  }
0x259: {  	[hbm4b:s2+s1] =	stream.linear.scatter [tilespmem:s7], [sflag:$0xA], $0x4000, $0x38;
	[tilespmem:$0x167C0] =	vst v63  }
0x25a: {  	_ =	swait.ge [sflag:s10], $0x4000  }
0x25b: {  	s18 =	sld [smem:$0x7F3]  }
0x25c: {  	[sflag:s10] =	ssyncset.done $0x0  }
0x25d: {  	[sflag:s10] =	ssyncadd.s32 $0xFFFFC000  }
0x25e: {  	[tilespmem:s8], [sflag:$0x4] =	stream.indirect.gather [hbm4b:s19+s5], $0x80, s18, s5, $0xb8;
	[tilespmem:$0x167C0] =	vst v63  }
0x25f: {  	_ =	swait.ge [sflag:s17], $0x4000  }
0x260: {  	[sflag:s17] =	ssyncset.done $0x0  }
0x261: {  	s22 =	rddreg [dreg:$0x1a];
	[sflag:s17] =	ssyncadd.s32 $0xFFFFC000  }
0x262: {  	[hbm4b:s22+s1] =	stream.linear.scatter [tilespmem:s12], [sflag:$0x7], $0x4000, $0x38;
	[tilespmem:$0x167C0] =	vst v63  }
0x263: {  	_ =	swait.ge [sflag:s11], $0x4000  }
0x264: {  	s23 =	sld [smem:$0x7F4]  }
0x265: {  	[sflag:s11] =	ssyncset.done $0x0  }
0x266: {  	[sflag:s11] =	ssyncadd.s32 $0xFFFFC000  }
0x267: {  	[tilespmem:s6], [sflag:$0x5] =	stream.indirect.gather [hbm4b:s19+s5], $0x80, s23, s5, $0xb8;
	[tilespmem:$0x167C0] =	vst v63  }
0x268: {  	_ =	swait.ge [sflag:s16], $0x4000  }
0x269: {  	[sflag:s16] =	ssyncset.done $0x0  }
0x26a: {  	s25 =	rddreg [dreg:$0x1b];
	[sflag:s16] =	ssyncadd.s32 $0xFFFFC000  }
0x26b: {  	[hbm4b:s25+s1] =	stream.linear.scatter [tilespmem:s8], [sflag:$0x8], $0x4000, $0x38;
	[tilespmem:$0x167C0] =	vst v63  }
0x26c: {  	_ =	swait.ge [sflag:s15], $0x4000  }
0x26d: {  	s28 =	sld [smem:$0x7F5]  }
0x26e: {  	[sflag:s15] =	ssyncset.done $0x0  }
0x26f: {  	[sflag:s15] =	ssyncadd.s32 $0xFFFFC000  }
0x270: {  	[tilespmem:s7], [sflag:$0x6] =	stream.indirect.gather [hbm4b:s19+s5], $0x80, s28, s5, $0xb8;
	[tilespmem:$0x167C0] =	vst v63  }
0x271: {  	_ =	swait.ge [sflag:s13], $0x4000  }
0x272: {  	[sflag:s13] =	ssyncset.done $0x0  }
0x273: {  	s0 =	simm.s32 @!p0 $0x2;
	s29 =	rddreg [dreg:$0x1c];
	[sflag:s13] =	ssyncadd.s32 $0xFFFFC000  }
0x274: {  	[hbm4b:s29+s1] =	stream.linear.scatter [tilespmem:s6], [sflag:$0x9], $0x4000, $0x38;
	[tilespmem:$0x167C0] =	vst v63  }
0x275: {  	_ =	swait.ge @!p0 [sflag:s0], $0x3E80  }
0x276: {  	[sflag:s0] =	ssyncset.done @!p0 $0x0  }
0x277: {  	[sflag:s0] =	ssyncadd.s32 @!p0 $0xFFFFC180  }
0x278: {  	_ =	swait.ge @!p0 [sflag:s0], $0x3E80  }
0x279: {  	[sflag:s0] =	ssyncset.done @!p0 $0x0  }
0x27a: {  	[sflag:s0] =	ssyncadd.s32 @!p0 $0xFFFFC180  }
0x27b: {  	_ =	swait.ge @!p0 [sflag:s0], $0x3E80  }
0x27c: {  	[sflag:s0] =	ssyncset.done @!p0 $0x0  }
0x27d: {  	[sflag:s0] =	ssyncadd.s32 @!p0 $0xFFFFC180  }
0x27e: {  	[bflag:$0x0] =	sbarrier.arrive $0xFFFF  }
0x27f: {  	_ =	swait.ge [sflag:s9], $0x4000  }
0x280: {  	[sflag:s9] =	ssyncset.done $0x0  }
0x281: {  	[sflag:s9] =	ssyncadd.s32 $0xFFFFC000  }
0x282: {  	[tilespmem:s12], [sflag:$0x3] =	stream.indirect.gather [spmem:s4], $0x80, s31, s5, $0xb8;
	[tilespmem:$0x167C0] =	vst v63  }
0x283: {  	_ =	swait.ge [sflag:s14], $0x4000  }
0x284: {  	[sflag:s14] =	ssyncset.done $0x0  }
0x285: {  	s2 =	rddreg [dreg:$0x1d];
	[sflag:s14] =	ssyncadd.s32 $0xFFFFC000  }
0x286: {  	[hbm4b:s2+s1] =	stream.linear.scatter [tilespmem:s7], [sflag:$0xA], $0x4000, $0x38;
	[tilespmem:$0x167C0] =	vst v63  }
0x287: {  	_ =	swait.ge [sflag:s10], $0x4000  }
0x288: {  	s18 =	sld [smem:$0x7F6]  }
0x289: {  	[sflag:s10] =	ssyncset.done $0x0  }
0x28a: {  	[sflag:s10] =	ssyncadd.s32 $0xFFFFC000  }
0x28b: {  	[tilespmem:s8], [sflag:$0x4] =	stream.indirect.gather [spmem:s4], $0x80, s18, s5, $0xb8;
	[tilespmem:$0x167C0] =	vst v63  }
0x28c: {  	_ =	swait.ge [sflag:s17], $0x4000  }
0x28d: {  	[sflag:s17] =	ssyncset.done $0x0  }
0x28e: {  	s19 =	rddreg [dreg:$0x1e];
	[sflag:s17] =	ssyncadd.s32 $0xFFFFC000  }
0x28f: {  	[hbm4b:s19+s1] =	stream.linear.scatter [tilespmem:s12], [sflag:$0x7], $0x4000, $0x38;
	[tilespmem:$0x167C0] =	vst v63  }
0x290: {  	_ =	swait.ge [sflag:s11], $0x4000  }
0x291: {  	s22 =	sld [smem:$0x7F7]  }
0x292: {  	[sflag:s11] =	ssyncset.done $0x0  }
0x293: {  	[sflag:s11] =	ssyncadd.s32 $0xFFFFC000  }
0x294: {  	[tilespmem:s6], [sflag:$0x5] =	stream.indirect.gather [spmem:s4], $0x80, s22, s5, $0xb8;
	[tilespmem:$0x167C0] =	vst v63  }
0x295: {  	_ =	swait.ge [sflag:s16], $0x4000  }
0x296: {  	[sflag:s16] =	ssyncset.done $0x0  }
0x297: {  	s23 =	rddreg [dreg:$0x1f];
	[sflag:s16] =	ssyncadd.s32 $0xFFFFC000  }
0x298: {  	[hbm4b:s23+s1] =	stream.linear.scatter [tilespmem:s8], [sflag:$0x8], $0x4000, $0x38;
	[tilespmem:$0x167C0] =	vst v63  }
0x299: {  	_ =	swait.ge [sflag:s15], $0x4000  }
0x29a: {  	s25 =	sld [smem:$0x7F8]  }
0x29b: {  	[sflag:s15] =	ssyncset.done $0x0  }
0x29c: {  	[sflag:s15] =	ssyncadd.s32 $0xFFFFC000  }
0x29d: {  	[tilespmem:s7], [sflag:$0x6] =	stream.indirect.gather [spmem:s4], $0x80, s25, s5, $0xb8;
	[tilespmem:$0x167C0] =	vst v63  }
0x29e: {  	_ =	swait.ge [sflag:s13], $0x4000  }
0x29f: {  	s28 =	sld [smem:$0x7E7]  }
0x2a0: {  	[sflag:s13] =	ssyncset.done $0x0  }
0x2a1: {  	[sflag:s13] =	ssyncadd.s32 $0xFFFFC000  }
0x2a2: {  	[hbm4b:s28+s1] =	stream.linear.scatter [tilespmem:s6], [sflag:$0x9], $0x4000, $0x38;
	[tilespmem:$0x167C0] =	vst v63  }
0x2a3: {  	_ =	swait.ge [sflag:s9], $0x4000  }
0x2a4: {  	[sflag:s9] =	ssyncset.done $0x0  }
0x2a5: {  	[sflag:s9] =	ssyncadd.s32 $0xFFFFC000  }
0x2a6: {  	[tilespmem:s12], [sflag:$0x3] =	stream.indirect.gather [spmem:s3], $0x80, s30, s5, $0xb8;
	[tilespmem:$0x167C0] =	vst v63  }
0x2a7: {  	_ =	swait.ge [sflag:s14], $0x4000  }
0x2a8: {  	s29 =	sld [smem:$0x7E8]  }
0x2a9: {  	[sflag:s14] =	ssyncset.done $0x0  }
0x2aa: {  	[sflag:s14] =	ssyncadd.s32 $0xFFFFC000  }
0x2ab: {  	[hbm4b:s29+s1] =	stream.linear.scatter [tilespmem:s7], [sflag:$0xA], $0x4000, $0x38;
	[tilespmem:$0x167C0] =	vst v63  }
0x2ac: {  	_ =	swait.ge [sflag:s10], $0x4000  }
0x2ad: {  	s30 =	sld [smem:$0x7F9]  }
0x2ae: {  	[sflag:s10] =	ssyncset.done $0x0  }
0x2af: {  	[sflag:s10] =	ssyncadd.s32 $0xFFFFC000  }
0x2b0: {  	[tilespmem:s8], [sflag:$0x4] =	stream.indirect.gather [spmem:s3], $0x80, s30, s5, $0xb8;
	[tilespmem:$0x167C0] =	vst v63  }
0x2b1: {  	_ =	swait.ge [sflag:s17], $0x4000  }
0x2b2: {  	s31 =	sld [smem:$0x7E9]  }
0x2b3: {  	[sflag:s17] =	ssyncset.done $0x0  }
0x2b4: {  	[sflag:s17] =	ssyncadd.s32 $0xFFFFC000  }
0x2b5: {  	[hbm4b:s31+s1] =	stream.linear.scatter [tilespmem:s12], [sflag:$0x7], $0x4000, $0x38;
	[tilespmem:$0x167C0] =	vst v63  }
0x2b6: {  	_ =	swait.ge [sflag:s11], $0x4000  }
0x2b7: {  	s2 =	sld [smem:$0x7FA]  }
0x2b8: {  	[sflag:s11] =	ssyncset.done $0x0  }
0x2b9: {  	[sflag:s11] =	ssyncadd.s32 $0xFFFFC000  }
0x2ba: {  	[tilespmem:s6], [sflag:$0x5] =	stream.indirect.gather [spmem:s3], $0x80, s2, s5, $0xb8;
	[tilespmem:$0x167C0] =	vst v63  }
0x2bb: {  	_ =	swait.ge [sflag:s16], $0x4000  }
0x2bc: {  	s4 =	sld [smem:$0x7EA]  }
0x2bd: {  	[sflag:s16] =	ssyncset.done $0x0  }
0x2be: {  	[sflag:s16] =	ssyncadd.s32 $0xFFFFC000  }
0x2bf: {  	[hbm4b:s4+s1] =	stream.linear.scatter [tilespmem:s8], [sflag:$0x8], $0x4000, $0x38;
	[tilespmem:$0x167C0] =	vst v63  }
0x2c0: {  	_ =	swait.ge [sflag:s15], $0x4000  }
0x2c1: {  	s18 =	sld [smem:$0x7FB]  }
0x2c2: {  	[sflag:s15] =	ssyncset.done $0x0  }
0x2c3: {  	[sflag:s15] =	ssyncadd.s32 $0xFFFFC000  }
0x2c4: {  	[tilespmem:s7], [sflag:$0x6] =	stream.indirect.gather [spmem:s3], $0x80, s18, s5, $0xb8;
	[tilespmem:$0x167C0] =	vst v63  }
0x2c5: {  	_ =	swait.ge [sflag:s13], $0x4000  }
0x2c6: {  	s19 =	sld [smem:$0x7EB]  }
0x2c7: {  	[sflag:s13] =	ssyncset.done $0x0  }
0x2c8: {  	[sflag:s13] =	ssyncadd.s32 $0xFFFFC000  }
0x2c9: {  	[hbm4b:s19+s1] =	stream.linear.scatter [tilespmem:s6], [sflag:$0x9], $0x4000, $0x38;
	[tilespmem:$0x167C0] =	vst v63  }
0x2ca: {  	_ =	swait.ge [sflag:s9], $0x4000  }
0x2cb: {  	[sflag:s9] =	ssyncset.done $0x0  }
0x2cc: {  	[sflag:s9] =	ssyncadd.s32 $0xFFFFC000  }
0x2cd: {  	[tilespmem:s12], [sflag:$0x3] =	stream.indirect.gather [spmem:s26], $0x80, s20, s5, $0xb8;
	[tilespmem:$0x167C0] =	vst v63  }
0x2ce: {  	_ =	swait.ge [sflag:s14], $0x4000  }
0x2cf: {  	s22 =	sld [smem:$0x7EC]  }
0x2d0: {  	[sflag:s14] =	ssyncset.done $0x0  }
0x2d1: {  	[sflag:s14] =	ssyncadd.s32 $0xFFFFC000  }
0x2d2: {  	[hbm4b:s22+s1] =	stream.linear.scatter [tilespmem:s7], [sflag:$0xA], $0x4000, $0x38;
	[tilespmem:$0x167C0] =	vst v63  }
0x2d3: {  	_ =	swait.ge [sflag:s10], $0x4000  }
0x2d4: {  	s23 =	sld [smem:$0x7FC]  }
0x2d5: {  	[sflag:s10] =	ssyncset.done $0x0  }
0x2d6: {  	[sflag:s10] =	ssyncadd.s32 $0xFFFFC000  }
0x2d7: {  	[tilespmem:s8], [sflag:$0x4] =	stream.indirect.gather [spmem:s26], $0x80, s23, s5, $0xb8;
	[tilespmem:$0x167C0] =	vst v63  }
0x2d8: {  	_ =	swait.ge [sflag:s17], $0x4000  }
0x2d9: {  	s25 =	sld [smem:$0x7ED]  }
0x2da: {  	[sflag:s17] =	ssyncset.done $0x0  }
0x2db: {  	[sflag:s17] =	ssyncadd.s32 $0xFFFFC000  }
0x2dc: {  	[hbm4b:s25+s1] =	stream.linear.scatter [tilespmem:s12], [sflag:$0x7], $0x4000, $0x38;
	[tilespmem:$0x167C0] =	vst v63  }
0x2dd: {  	_ =	swait.ge [sflag:s11], $0x4000  }
0x2de: {  	s28 =	sld [smem:$0x7FD]  }
0x2df: {  	[sflag:s11] =	ssyncset.done $0x0  }
0x2e0: {  	[sflag:s11] =	ssyncadd.s32 $0xFFFFC000  }
0x2e1: {  	[tilespmem:s6], [sflag:$0x5] =	stream.indirect.gather [spmem:s26], $0x80, s28, s5, $0xb8;
	[tilespmem:$0x167C0] =	vst v63  }
0x2e2: {  	_ =	swait.ge [sflag:s16], $0x4000  }
0x2e3: {  	s29 =	sld [smem:$0x7EE]  }
0x2e4: {  	[sflag:s16] =	ssyncset.done $0x0  }
0x2e5: {  	[sflag:s16] =	ssyncadd.s32 $0xFFFFC000  }
0x2e6: {  	[hbm4b:s29+s1] =	stream.linear.scatter [tilespmem:s8], [sflag:$0x8], $0x4000, $0x38;
	[tilespmem:$0x167C0] =	vst v63  }
0x2e7: {  	_ =	swait.ge [sflag:s15], $0x4000  }
0x2e8: {  	[sflag:s15] =	ssyncset.done $0x0  }
0x2e9: {  	[sflag:s15] =	ssyncadd.s32 $0xFFFFC000  }
0x2ea: {  	[tilespmem:s7], [sflag:$0x6] =	stream.indirect.gather [spmem:s26], $0x80, s24, s5, $0xb8;
	[tilespmem:$0x167C0] =	vst v63  }
0x2eb: {  	_ =	swait.ge [sflag:s13], $0x4000  }
0x2ec: {  	s30 =	sld [smem:$0x7EF]  }
0x2ed: {  	[sflag:s13] =	ssyncset.done $0x0  }
0x2ee: {  	[sflag:s13] =	ssyncadd.s32 $0xFFFFC000  }
0x2ef: {  	[hbm4b:s30+s1] =	stream.linear.scatter [tilespmem:s6], [sflag:$0x9], $0x4000, $0x38;
	[tilespmem:$0x167C0] =	vst v63  }
0x2f0: {  	_ =	swait.ge [sflag:s14], $0x4000  }
0x2f1: {  	s31 =	sld [smem:$0x7F0]  }
0x2f2: {  	[sflag:s14] =	ssyncset.done $0x0  }
0x2f3: {  	[sflag:s14] =	ssyncadd.s32 $0xFFFFC000  }
0x2f4: {  	[hbm4b:s31+s1] =	stream.linear.scatter [tilespmem:s7], [sflag:$0xA], $0x4000, $0x38;
	[tilespmem:$0x167C0] =	vst v63  }
0x2f5: {  	_ =	swait.ge [sflag:s9], $0x4000  }
0x2f6: {  	[sflag:s9] =	ssyncset.done $0x0  }
0x2f7: {  	[sflag:s9] =	ssyncadd.s32 $0xFFFFC000  }
0x2f8: {  	_ =	swait.ge [sflag:s10], $0x4000  }
0x2f9: {  	[sflag:s10] =	ssyncset.done $0x0  }
0x2fa: {  	[sflag:s10] =	ssyncadd.s32 $0xFFFFC000  }
0x2fb: {  	_ =	swait.ge [sflag:s11], $0x4000  }
0x2fc: {  	[sflag:s11] =	ssyncset.done $0x0  }
0x2fd: {  	[sflag:s11] =	ssyncadd.s32 $0xFFFFC000  }
0x2fe: {  	_ =	swait.ge [sflag:s15], $0x4000  }
0x2ff: {  	[sflag:s15] =	ssyncset.done $0x0  }
0x300: {  	[sflag:s15] =	ssyncadd.s32 $0xFFFFC000  }
0x301: {  	_ =	sfence.sel $0x180000  }
0x302: {  	[bflag:$0x0] =	sbarrier.arrive $0xFFFF  }
0x303: {  	_ =	strace $0x90000047  }
0x304: {  	s0 =	sadd.s32 @!p0 $0x100000, s21;
	[bflag:$0x2] =	sbarrier.arrive $0xFFFF  }
0x305: {  	[sflag:s0] =	ssyncadd.tile.s32 @!p0 $0x1;
	_ =	shalt  }
.LBB3_6:
.Ltmp3:
0x306: {  	(pc) =	sbr.rel .LBB3_5-.Ltmp3, $4  }
0x307: {  	_ = 	snop  }
0x308: {  	s21 =	sld [smem:$0x7E4];
	s24 =	simm.s32 $0x980  }
0x309: {  	s30 =	simm.s32 $0x400;
	s23 =	smov.u32 s29;
	s29 =	sld [smem:$0x7E6]  }
0x30a: {  	s31 =	simm.s32 $0x200;
	s28 =	simm.s32 $0x600;
	s2 =	sld [smem:$0x7E5]  }
.Lfunc_end3:
_tile_overlayer_lowered:
.L_overlay_start_3:
0x30b: {  	(tag) =	ssettag $0x3  }
0x30c: {  	s0 =	rddreg [dreg:$0x0];
	s2 =	stileid.u32  }
0x30d: {  	s1 =	rddreg [dreg:$0x1];
	p0 =	sne.s32 s2, $0x0  }
0x30e: {  	s3 =	rddreg [dreg:$0x2];
	[bflag:$0x3] =	sbarrier.arrive $0xFFFF;
	s2 =	simm.s32 @!p0 $0x1C0B  }
0x30f: {  	[timem:s3], [sflag:s2] =	dma.local @!p0 [hbm:s0], s1  }
0x310: {  	s0 =	simm.s32 @!p0 $0xB  }
0x311: {  	_ =	swait.ge @!p0 [sflag:s0], s1  }
0x312: {  	s1 =	ssub.s32 @!p0 $0x0, s1;
	[sflag:s0] =	ssyncset.done @!p0 $0x0  }
0x313: {  	[sflag:s0] =	ssyncadd.s32 @!p0 s1  }
0x314: {  	[bflag:$0x3] =	sbarrier.arrive $0xFFFF  }
0x315: {  	_ =	shalt  }

</sc_bundles>
